<compile_context>
chip_gen: v7x
topology: tpu7x:2x2x1
jax: 0.10.2.dev20260603
libtpu: 0.0.44.dev20260713+nightly
codegen_flags: <defaults>
</compile_context>

<pallas_src>
import functools
import math

import numpy as np
import jax
import jax.numpy as jnp
from jax import lax
from jax.experimental import pallas as pl
from jax.experimental.pallas import tpu as pltpu
from jax.experimental.pallas import tpu_sc as plsc

VOCAB = 100000
DIM = 128
MAX_LEN = 200
BATCH = 1024
SEQ = 200

N = BATCH * SEQ
NW = 32
ROWS_PER_W = N // NW
CHUNK = 128
NCHUNK = ROWS_PER_W // CHUNK
NSLOT = 5
NCOMB = 3 * SEQ
CROWS = 40


def _pe_table_np():
    position = np.arange(MAX_LEN, dtype=np.float32)[:, None]
    div_term = np.exp(
        np.arange(0, DIM, 2, dtype=np.float32) * -(math.log(10000.0) / DIM)
    )
    pe = np.zeros((MAX_LEN, DIM), dtype=np.float32)
    pe[:, 0::2] = np.sin(position * div_term)
    pe[:, 1::2] = np.cos(position * div_term)
    return pe


_PE_NP = _pe_table_np()
_POS_NP = (np.arange(ROWS_PER_W, dtype=np.int32) % SEQ)


def _sc_body(t_hbm, s_hbm, pe_hbm, pos_hbm, tok_hbm, seg_hbm, out_hbm,
             comb_sh, idx_t, idx_c, pos_v, s_v, bufs, sems_c, sems_t, sems_w):
    cid = lax.axis_index("c")
    sid = lax.axis_index("s")
    wid = sid * 2 + cid
    obase = wid * ROWS_PER_W

    @pl.when(sid < 15)
    def _():
        r0 = pl.multiple_of(sid * CROWS, CROWS)
        seg_id = r0 // SEQ
        pos0 = pl.multiple_of(r0 - seg_id * SEQ, CROWS)
        pltpu.sync_copy(pe_hbm.at[pl.ds(pos0, CROWS)], bufs[0].at[pl.ds(0, CROWS)])
        pltpu.sync_copy(s_hbm, s_v)

        def row_fn(r, c):
            for k in range(DIM // 16):
                sl = pl.ds(k * 16, 16)
                bufs[0][r, sl] = bufs[0][r, sl] + s_v[seg_id, sl]
            return c

        lax.fori_loop(0, CROWS, row_fn, 0)
        pltpu.sync_copy(bufs[0].at[pl.ds(0, CROWS)], comb_sh.at[pl.ds(r0, CROWS)])

    pltpu.sync_copy(tok_hbm.at[pl.ds(obase, ROWS_PER_W)], idx_t)
    pltpu.sync_copy(seg_hbm.at[pl.ds(obase, ROWS_PER_W)], idx_c)
    pltpu.sync_copy(pos_hbm, pos_v)

    def cidx_fn(i, c):
        sl = pl.ds(pl.multiple_of(i * 16, 16), 16)
        idx_c[sl] = idx_c[sl] * SEQ + pos_v[sl]
        return c

    lax.fori_loop(0, ROWS_PER_W // 16, cidx_fn, 0)
    plsc.subcore_barrier()

    def wb_drain(b):
        pltpu.make_async_copy(
            bufs[b], out_hbm.at[pl.ds(obase, CHUNK)], sems_w[b]
        ).wait()

    def group_body(gg, carry):
        g0 = gg * NSLOT

        def islice(ref, b):
            off = pl.multiple_of((g0 + b) * CHUNK, CHUNK)
            return ref.at[pl.ds(off, CHUNK)]

        cds = []
        for b in range(NSLOT):
            @pl.when(gg > 0)
            def _(b=b):
                wb_drain(b)
            cds.append(
                pltpu.async_copy(comb_sh.at[islice(idx_c, b)], bufs[b],
                                 sems_c[b])
            )
        tds = []
        for b in range(NSLOT):
            cds[b].wait()
            tds.append(
                pltpu.async_copy(t_hbm.at[islice(idx_t, b)], bufs[b],
                                 sems_t[b], add=True)
            )
        for b in range(NSLOT):
            tds[b].wait()
            pltpu.async_copy(
                bufs[b],
                out_hbm.at[pl.ds(obase + (g0 + b) * CHUNK, CHUNK)],
                sems_w[b],
            )
        return carry

    lax.fori_loop(0, NCHUNK // NSLOT, group_body, 0)
    for b in range(NSLOT):
        wb_drain(b)


@jax.jit
def _sc_run(t_table, s_table, pe, pos, tok, seg):
    mesh = plsc.VectorSubcoreMesh(core_axis_name="c", subcore_axis_name="s")
    f = pl.kernel(
        _sc_body,
        out_type=jax.ShapeDtypeStruct((N, DIM), jnp.float32),
        mesh=mesh,
        scratch_types=[
            pltpu.VMEM_SHARED((NCOMB, DIM), jnp.float32),
            pltpu.VMEM((ROWS_PER_W,), jnp.int32),
            pltpu.VMEM((ROWS_PER_W,), jnp.int32),
            pltpu.VMEM((ROWS_PER_W,), jnp.int32),
            pltpu.VMEM((3, DIM), jnp.float32),
            [pltpu.VMEM((CHUNK, DIM), jnp.float32) for _ in range(NSLOT)],
            [pltpu.SemaphoreType.DMA for _ in range(NSLOT)],
            [pltpu.SemaphoreType.DMA for _ in range(NSLOT)],
            [pltpu.SemaphoreType.DMA for _ in range(NSLOT)],
        ],
    )
    return f(t_table, s_table, pe, pos, tok, seg)


def kernel(input_batch, segment, t_table, s_table):
    out = _sc_run(
        t_table,
        s_table,
        _PE_NP,
        _POS_NP,
        input_batch.reshape(-1),
        segment.reshape(-1),
    )
    return out.reshape(BATCH, SEQ, DIM)

# --- scband reference (transcript-rebuilt; emitter-appended) ---
"""Pipeline reference for scband-bertembedding-88880053223880 (READ-ONLY COPY).

The authoritative reference and input builder live on the scoring server;
editing this copy changes nothing except your own understanding.
"""

import math
import jax, jax.numpy as jnp
import numpy as np

VOCAB = 100000
DIM = 128
MAX_LEN = 200
BATCH = 1024
SEQ = 200

def make_pe():
    position = np.arange(MAX_LEN, dtype=np.float32)[:, None]
    div_term = np.exp(np.arange(0, DIM, 2, dtype=np.float32) * -(math.log(10000.0) / DIM))
    pe = np.zeros((MAX_LEN, DIM), dtype=np.float32)
    pe[:, 0::2] = np.sin(position * div_term)
    pe[:, 1::2] = np.cos(position * div_term)
    return jnp.asarray(pe[None])  # [1, MAX_LEN, DIM]

def setup_inputs(seed: int = 0) -> dict:
    key = jax.random.key(seed)
    k1, k2, k3, k4 = jax.random.split(key, 4)
    input_batch = jax.random.randint(k1, (BATCH, SEQ), 0, VOCAB + 1, dtype=jnp.int32)
    segment = jax.random.randint(k2, (BATCH, SEQ), 0, 3, dtype=jnp.int32)
    t_table = jax.random.normal(k3, (VOCAB + 1, DIM), dtype=jnp.float32)
    s_table = jax.random.normal(k4, (3, DIM), dtype=jnp.float32)
    return {"input_batch": input_batch, "segment": segment, "t_table": t_table, "s_table": s_table}

def reference(input_batch, segment, t_table, s_table):
    # token embedding: gather from table
    te = jnp.take(t_table, input_batch, axis=0)
    # positional embedding: fixed sinusoidal buffer, sliced to seq len
    pe = make_pe()[:, :input_batch.shape[1]]
    # segment embedding: gather from 3-row table
    se = jnp.take(s_table, segment, axis=0)
    out = te + pe + se
    # dropout in eval mode = identity
    return out

if __name__ == "__main__":
    import jax
    _d = setup_inputs()
    print(jax.jit(kernel)(*tuple(_d.values())))

</pallas_src>

<mosaic_0001>
#map = affine_map<(d0, d1) -> (0, 0)>
#map1 = affine_map<(d0, d1) -> (0)>
module attributes {stable_mosaic.version = 14 : i64} {
  func.func @_sc_body(%arg0: i32, %arg1: i32, %arg2: memref<100001x128xf32, #tpu.memory_space<hbm>>, %arg3: memref<3x128xf32, #tpu.memory_space<hbm>>, %arg4: memref<200x128xf32, #tpu.memory_space<hbm>>, %arg5: memref<6400xi32, #tpu.memory_space<hbm>>, %arg6: memref<204800xi32, #tpu.memory_space<hbm>>, %arg7: memref<204800xi32, #tpu.memory_space<hbm>>, %arg8: memref<204800x128xf32, #tpu.memory_space<hbm>>, %arg9: memref<600x128xf32, #tpu.memory_space<vmem_shared>>, %arg10: memref<6400xi32, #tpu.memory_space<vmem>>, %arg11: memref<6400xi32, #tpu.memory_space<vmem>>, %arg12: memref<6400xi32, #tpu.memory_space<vmem>>, %arg13: memref<3x128xf32, #tpu.memory_space<vmem>>, %arg14: memref<128x128xf32, #tpu.memory_space<vmem>>, %arg15: memref<128x128xf32, #tpu.memory_space<vmem>>, %arg16: memref<128x128xf32, #tpu.memory_space<vmem>>, %arg17: memref<128x128xf32, #tpu.memory_space<vmem>>, %arg18: memref<128x128xf32, #tpu.memory_space<vmem>>, %arg19: memref<!tpu.dma_semaphore, #tpu.memory_space<semaphore_mem>>, %arg20: memref<!tpu.dma_semaphore, #tpu.memory_space<semaphore_mem>>, %arg21: memref<!tpu.dma_semaphore, #tpu.memory_space<semaphore_mem>>, %arg22: memref<!tpu.dma_semaphore, #tpu.memory_space<semaphore_mem>>, %arg23: memref<!tpu.dma_semaphore, #tpu.memory_space<semaphore_mem>>, %arg24: memref<!tpu.dma_semaphore, #tpu.memory_space<semaphore_mem>>, %arg25: memref<!tpu.dma_semaphore, #tpu.memory_space<semaphore_mem>>, %arg26: memref<!tpu.dma_semaphore, #tpu.memory_space<semaphore_mem>>, %arg27: memref<!tpu.dma_semaphore, #tpu.memory_space<semaphore_mem>>, %arg28: memref<!tpu.dma_semaphore, #tpu.memory_space<semaphore_mem>>, %arg29: memref<!tpu.dma_semaphore, #tpu.memory_space<semaphore_mem>>, %arg30: memref<!tpu.dma_semaphore, #tpu.memory_space<semaphore_mem>>, %arg31: memref<!tpu.dma_semaphore, #tpu.memory_space<semaphore_mem>>, %arg32: memref<!tpu.dma_semaphore, #tpu.memory_space<semaphore_mem>>, %arg33: memref<!tpu.dma_semaphore, #tpu.memory_space<semaphore_mem>>) attributes {dimension_semantics = [#tpu.dimension_semantics<core_parallel>, #tpu.dimension_semantics<subcore_parallel>], iteration_bounds = array<i64: 2, 16>, scalar_prefetch = 0 : i64, scratch_operands = 25 : i64, tpu.core_type = #tpu.core_type<sc_vector_subcore>, window_params = [{transform_indices = #map}, {transform_indices = #map}, {transform_indices = #map}, {transform_indices = #map1}, {transform_indices = #map1}, {transform_indices = #map1}, {transform_indices = #map}]} {
    %mul3A = arith.constant 2 : i32
    %mul3A_0 = arith.muli %arg1, %mul3A : i32
    %add3A = arith.addi %mul3A_0, %arg0 : i32
    %mul3A_1 = arith.constant 6400 : i32
    %mul3A_2 = arith.muli %add3A, %mul3A_1 : i32
    %lt3A = arith.constant 15 : i32
    %lt3A_3 = arith.cmpi slt, %arg1, %lt3A : i32
    %convert_element_type3A = arith.extui %lt3A_3 : i1 to i32
    %cond3A = arith.constant 0 : i32
    %cond3A_4 = arith.cmpi ne, %convert_element_type3A, %cond3A : i32
    scf.if %cond3A_4 {
      %mul3A_35 = arith.constant 40 : i32
      %mul3A_36 = arith.muli %arg1, %mul3A_35 : i32
      %multiple_of3A = tpu.assume_multiple %mul3A_36, 40 : i32
      %jit3A = arith.constant 200 : i32
      %div3A = arith.divsi %multiple_of3A, %jit3A : i32
      %sign3A = arith.constant 0 : i32
      %sign3A_37 = arith.cmpi sgt, %multiple_of3A, %sign3A : i32
      %sign3A_38 = arith.extui %sign3A_37 : i1 to i32
      %sign3A_39 = arith.constant 0 : i32
      %sign3A_40 = arith.cmpi slt, %multiple_of3A, %sign3A_39 : i32
      %sign3A_41 = arith.extui %sign3A_40 : i1 to i32
      %sign3A_42 = arith.subi %sign3A_38, %sign3A_41 : i32
      %sign3A_43 = arith.constant 0 : i32
      %sign3A_44 = arith.cmpi sgt, %jit3A, %sign3A_43 : i32
      %sign3A_45 = arith.extui %sign3A_44 : i1 to i32
      %sign3A_46 = arith.constant 0 : i32
      %sign3A_47 = arith.cmpi slt, %jit3A, %sign3A_46 : i32
      %sign3A_48 = arith.extui %sign3A_47 : i1 to i32
      %sign3A_49 = arith.subi %sign3A_45, %sign3A_48 : i32
      %ne3A = arith.cmpi ne, %sign3A_42, %sign3A_49 : i32
      %rem3A = arith.remsi %multiple_of3A, %jit3A : i32
      %ne3A_50 = arith.constant 0 : i32
      %ne3A_51 = arith.cmpi ne, %rem3A, %ne3A_50 : i32
      %and3A = arith.andi %ne3A, %ne3A_51 : i1
      %sub3A = arith.constant 1 : i32
      %sub3A_52 = arith.subi %div3A, %sub3A : i32
      %select_n3A = arith.select %and3A, %sub3A_52, %div3A : i32
      %mul3A_53 = arith.constant 200 : i32
      %mul3A_54 = arith.muli %select_n3A, %mul3A_53 : i32
      %sub3A_55 = arith.subi %multiple_of3A, %mul3A_54 : i32
      %multiple_of3A_56 = tpu.assume_multiple %sub3A_55, 40 : i32
      "tpu.region"() ({
        %run_scoped3A = tpu.sem_alloc : memref<!tpu.dma_semaphore, #tpu.memory_space<semaphore_mem>>
        %dma_start3A = arith.constant 0 : i32
        %dma_start3A_63 = arith.constant 0 : i32
        %dma_start3A_64 = tpu.memref_slice %arg14[%dma_start3A, %dma_start3A_63] : memref<128x128xf32, #tpu.memory_space<vmem>> -> memref<40x128xf32, #tpu.memory_space<vmem>>
        %dma_start3A_65 = arith.constant 0 : i32
        %dma_start3A_66 = tpu.memref_slice %arg4[%multiple_of3A_56, %dma_start3A_65] : memref<200x128xf32, #tpu.memory_space<hbm>> -> memref<40x128xf32, #tpu.memory_space<hbm>>
        %dma_start3A_67 = arith.constant 0 : i32
        %dma_start3A_68 = arith.constant 0 : i32
        %dma_start3A_69 = tpu.memref_slice %arg14[%dma_start3A_67, %dma_start3A_68] : memref<128x128xf32, #tpu.memory_space<vmem>> -> memref<40x128xf32, #tpu.memory_space<vmem>>
        %dma_start3A_70 = arith.constant 0 : i32
        %dma_start3A_71 = tpu.memref_slice %arg4[%multiple_of3A_56, %dma_start3A_70] : memref<200x128xf32, #tpu.memory_space<hbm>> -> memref<40x128xf32, #tpu.memory_space<hbm>>
        tpu.enqueue_dma source(%dma_start3A_71 : memref<40x128xf32, #tpu.memory_space<hbm>>) target(%dma_start3A_69 : memref<40x128xf32, #tpu.memory_space<vmem>>) target_semaphore(%run_scoped3A : memref<!tpu.dma_semaphore, #tpu.memory_space<semaphore_mem>>)
        %dma_wait3A_72 = arith.constant 0 : i32
        %dma_wait3A_73 = arith.constant 0 : i32
        %dma_wait3A_74 = tpu.memref_slice %arg14[%dma_wait3A_72, %dma_wait3A_73] : memref<128x128xf32, #tpu.memory_space<vmem>> -> memref<40x128xf32, #tpu.memory_space<vmem>>
        %dma_wait3A_75 = arith.constant 0 : i32
        %dma_wait3A_76 = tpu.memref_slice %arg4[%multiple_of3A_56, %dma_wait3A_75] : memref<200x128xf32, #tpu.memory_space<hbm>> -> memref<40x128xf32, #tpu.memory_space<hbm>>
        %dma_wait3A_77 = arith.constant 0 : i32
        %dma_wait3A_78 = arith.constant 0 : i32
        %dma_wait3A_79 = tpu.memref_slice %arg14[%dma_wait3A_77, %dma_wait3A_78] : memref<128x128xf32, #tpu.memory_space<vmem>> -> memref<40x128xf32, #tpu.memory_space<vmem>>
        %dma_wait3A_80 = arith.constant 0 : i32
        %dma_wait3A_81 = tpu.memref_slice %arg4[%multiple_of3A_56, %dma_wait3A_80] : memref<200x128xf32, #tpu.memory_space<hbm>> -> memref<40x128xf32, #tpu.memory_space<hbm>>
        tpu.wait_dma2 semaphore(%run_scoped3A : memref<!tpu.dma_semaphore, #tpu.memory_space<semaphore_mem>>) src(%dma_wait3A_81 : memref<40x128xf32, #tpu.memory_space<hbm>>) dst(%dma_wait3A_79 : memref<40x128xf32, #tpu.memory_space<vmem>>)
        tpu.yield
      }) : () -> ()
      "tpu.region"() ({
        %run_scoped3A = tpu.sem_alloc : memref<!tpu.dma_semaphore, #tpu.memory_space<semaphore_mem>>
        tpu.enqueue_dma source(%arg3 : memref<3x128xf32, #tpu.memory_space<hbm>>) target(%arg13 : memref<3x128xf32, #tpu.memory_space<vmem>>) target_semaphore(%run_scoped3A : memref<!tpu.dma_semaphore, #tpu.memory_space<semaphore_mem>>)
        tpu.wait_dma2 semaphore(%run_scoped3A : memref<!tpu.dma_semaphore, #tpu.memory_space<semaphore_mem>>) src(%arg3 : memref<3x128xf32, #tpu.memory_space<hbm>>) dst(%arg13 : memref<3x128xf32, #tpu.memory_space<vmem>>)
        tpu.yield
      }) : () -> ()
      %scan3A_57 = arith.constant 0 : i32
      %scan3A_58 = arith.constant 0 : i32
      %scan3A_59 = arith.constant 40 : i32
      %scan3A_60 = arith.addi %scan3A_58, %scan3A_59 : i32
      %scan3A_61 = arith.constant 1 : i32
      scf.for %scan3A_63 = %scan3A_58 to %scan3A_60 step %scan3A_61  : i32 {
        %get3A = arith.index_cast %scan3A_63 : i32 to index
        %get3A_64 = arith.constant 0 : index
        %get3A_65 = tpu.vector_load %arg14[%get3A, %get3A_64] {strides = array<i32>} : memref<128x128xf32, #tpu.memory_space<vmem>>, vector<1x16xf32>,
        %get3A_66 = vector.shape_cast %get3A_65 : vector<1x16xf32> to vector<16xf32>
        %get3A_67 = arith.index_cast %select_n3A : i32 to index
        %get3A_68 = arith.constant 0 : index
        %get3A_69 = tpu.vector_load %arg13[%get3A_67, %get3A_68] {strides = array<i32>} : memref<3x128xf32, #tpu.memory_space<vmem>>, vector<1x16xf32>,
        %get3A_70 = vector.shape_cast %get3A_69 : vector<1x16xf32> to vector<16xf32>
        %add3A_71 = arith.addf %get3A_66, %get3A_70 : vector<16xf32>
        %swap3A = arith.index_cast %scan3A_63 : i32 to index
        %swap3A_72 = arith.constant 0 : index
        %swap3A_73 = tpu.vector_load %arg14[%swap3A, %swap3A_72] {strides = array<i32>} : memref<128x128xf32, #tpu.memory_space<vmem>>, vector<1x16xf32>,
        %swap3A_74 = vector.shape_cast %swap3A_73 : vector<1x16xf32> to vector<16xf32>
        %swap3A_75 = vector.shape_cast %add3A_71 : vector<16xf32> to vector<1x16xf32>
        tpu.vector_store %arg14[%swap3A, %swap3A_72], %swap3A_75 {strides = array<i32>} : memref<128x128xf32, #tpu.memory_space<vmem>>, vector<1x16xf32>,
        %get3A_76 = arith.index_cast %scan3A_63 : i32 to index
        %get3A_77 = arith.constant 16 : index
        %get3A_78 = tpu.vector_load %arg14[%get3A_76, %get3A_77] {strides = array<i32>} : memref<128x128xf32, #tpu.memory_space<vmem>>, vector<1x16xf32>,
        %get3A_79 = vector.shape_cast %get3A_78 : vector<1x16xf32> to vector<16xf32>
        %get3A_80 = arith.index_cast %select_n3A : i32 to index
        %get3A_81 = arith.constant 16 : index
        %get3A_82 = tpu.vector_load %arg13[%get3A_80, %get3A_81] {strides = array<i32>} : memref<3x128xf32, #tpu.memory_space<vmem>>, vector<1x16xf32>,
        %get3A_83 = vector.shape_cast %get3A_82 : vector<1x16xf32> to vector<16xf32>
        %add3A_84 = arith.addf %get3A_79, %get3A_83 : vector<16xf32>
        %swap3A_85 = arith.index_cast %scan3A_63 : i32 to index
        %swap3A_86 = arith.constant 16 : index
        %swap3A_87 = tpu.vector_load %arg14[%swap3A_85, %swap3A_86] {strides = array<i32>} : memref<128x128xf32, #tpu.memory_space<vmem>>, vector<1x16xf32>,
        %swap3A_88 = vector.shape_cast %swap3A_87 : vector<1x16xf32> to vector<16xf32>
        %swap3A_89 = vector.shape_cast %add3A_84 : vector<16xf32> to vector<1x16xf32>
        tpu.vector_store %arg14[%swap3A_85, %swap3A_86], %swap3A_89 {strides = array<i32>} : memref<128x128xf32, #tpu.memory_space<vmem>>, vector<1x16xf32>,
        %get3A_90 = arith.index_cast %scan3A_63 : i32 to index
        %get3A_91 = arith.constant 32 : index
        %get3A_92 = tpu.vector_load %arg14[%get3A_90, %get3A_91] {strides = array<i32>} : memref<128x128xf32, #tpu.memory_space<vmem>>, vector<1x16xf32>,
        %get3A_93 = vector.shape_cast %get3A_92 : vector<1x16xf32> to vector<16xf32>
        %get3A_94 = arith.index_cast %select_n3A : i32 to index
        %get3A_95 = arith.constant 32 : index
        %get3A_96 = tpu.vector_load %arg13[%get3A_94, %get3A_95] {strides = array<i32>} : memref<3x128xf32, #tpu.memory_space<vmem>>, vector<1x16xf32>,
        %get3A_97 = vector.shape_cast %get3A_96 : vector<1x16xf32> to vector<16xf32>
        %add3A_98 = arith.addf %get3A_93, %get3A_97 : vector<16xf32>
        %swap3A_99 = arith.index_cast %scan3A_63 : i32 to index
        %swap3A_100 = arith.constant 32 : index
        %swap3A_101 = tpu.vector_load %arg14[%swap3A_99, %swap3A_100] {strides = array<i32>} : memref<128x128xf32, #tpu.memory_space<vmem>>, vector<1x16xf32>,
        %swap3A_102 = vector.shape_cast %swap3A_101 : vector<1x16xf32> to vector<16xf32>
        %swap3A_103 = vector.shape_cast %add3A_98 : vector<16xf32> to vector<1x16xf32>
        tpu.vector_store %arg14[%swap3A_99, %swap3A_100], %swap3A_103 {strides = array<i32>} : memref<128x128xf32, #tpu.memory_space<vmem>>, vector<1x16xf32>,
        %get3A_104 = arith.index_cast %scan3A_63 : i32 to index
        %get3A_105 = arith.constant 48 : index
        %get3A_106 = tpu.vector_load %arg14[%get3A_104, %get3A_105] {strides = array<i32>} : memref<128x128xf32, #tpu.memory_space<vmem>>, vector<1x16xf32>,
        %get3A_107 = vector.shape_cast %get3A_106 : vector<1x16xf32> to vector<16xf32>
        %get3A_108 = arith.index_cast %select_n3A : i32 to index
        %get3A_109 = arith.constant 48 : index
        %get3A_110 = tpu.vector_load %arg13[%get3A_108, %get3A_109] {strides = array<i32>} : memref<3x128xf32, #tpu.memory_space<vmem>>, vector<1x16xf32>,
        %get3A_111 = vector.shape_cast %get3A_110 : vector<1x16xf32> to vector<16xf32>
        %add3A_112 = arith.addf %get3A_107, %get3A_111 : vector<16xf32>
        %swap3A_113 = arith.index_cast %scan3A_63 : i32 to index
        %swap3A_114 = arith.constant 48 : index
        %swap3A_115 = tpu.vector_load %arg14[%swap3A_113, %swap3A_114] {strides = array<i32>} : memref<128x128xf32, #tpu.memory_space<vmem>>, vector<1x16xf32>,
        %swap3A_116 = vector.shape_cast %swap3A_115 : vector<1x16xf32> to vector<16xf32>
        %swap3A_117 = vector.shape_cast %add3A_112 : vector<16xf32> to vector<1x16xf32>
        tpu.vector_store %arg14[%swap3A_113, %swap3A_114], %swap3A_117 {strides = array<i32>} : memref<128x128xf32, #tpu.memory_space<vmem>>, vector<1x16xf32>,
        %get3A_118 = arith.index_cast %scan3A_63 : i32 to index
        %get3A_119 = arith.constant 64 : index
        %get3A_120 = tpu.vector_load %arg14[%get3A_118, %get3A_119] {strides = array<i32>} : memref<128x128xf32, #tpu.memory_space<vmem>>, vector<1x16xf32>,
        %get3A_121 = vector.shape_cast %get3A_120 : vector<1x16xf32> to vector<16xf32>
        %get3A_122 = arith.index_cast %select_n3A : i32 to index
        %get3A_123 = arith.constant 64 : index
        %get3A_124 = tpu.vector_load %arg13[%get3A_122, %get3A_123] {strides = array<i32>} : memref<3x128xf32, #tpu.memory_space<vmem>>, vector<1x16xf32>,
        %get3A_125 = vector.shape_cast %get3A_124 : vector<1x16xf32> to vector<16xf32>
        %add3A_126 = arith.addf %get3A_121, %get3A_125 : vector<16xf32>
        %swap3A_127 = arith.index_cast %scan3A_63 : i32 to index
        %swap3A_128 = arith.constant 64 : index
        %swap3A_129 = tpu.vector_load %arg14[%swap3A_127, %swap3A_128] {strides = array<i32>} : memref<128x128xf32, #tpu.memory_space<vmem>>, vector<1x16xf32>,
        %swap3A_130 = vector.shape_cast %swap3A_129 : vector<1x16xf32> to vector<16xf32>
        %swap3A_131 = vector.shape_cast %add3A_126 : vector<16xf32> to vector<1x16xf32>
        tpu.vector_store %arg14[%swap3A_127, %swap3A_128], %swap3A_131 {strides = array<i32>} : memref<128x128xf32, #tpu.memory_space<vmem>>, vector<1x16xf32>,
        %get3A_132 = arith.index_cast %scan3A_63 : i32 to index
        %get3A_133 = arith.constant 80 : index
        %get3A_134 = tpu.vector_load %arg14[%get3A_132, %get3A_133] {strides = array<i32>} : memref<128x128xf32, #tpu.memory_space<vmem>>, vector<1x16xf32>,
        %get3A_135 = vector.shape_cast %get3A_134 : vector<1x16xf32> to vector<16xf32>
        %get3A_136 = arith.index_cast %select_n3A : i32 to index
        %get3A_137 = arith.constant 80 : index
        %get3A_138 = tpu.vector_load %arg13[%get3A_136, %get3A_137] {strides = array<i32>} : memref<3x128xf32, #tpu.memory_space<vmem>>, vector<1x16xf32>,
        %get3A_139 = vector.shape_cast %get3A_138 : vector<1x16xf32> to vector<16xf32>
        %add3A_140 = arith.addf %get3A_135, %get3A_139 : vector<16xf32>
        %swap3A_141 = arith.index_cast %scan3A_63 : i32 to index
        %swap3A_142 = arith.constant 80 : index
        %swap3A_143 = tpu.vector_load %arg14[%swap3A_141, %swap3A_142] {strides = array<i32>} : memref<128x128xf32, #tpu.memory_space<vmem>>, vector<1x16xf32>,
        %swap3A_144 = vector.shape_cast %swap3A_143 : vector<1x16xf32> to vector<16xf32>
        %swap3A_145 = vector.shape_cast %add3A_140 : vector<16xf32> to vector<1x16xf32>
        tpu.vector_store %arg14[%swap3A_141, %swap3A_142], %swap3A_145 {strides = array<i32>} : memref<128x128xf32, #tpu.memory_space<vmem>>, vector<1x16xf32>,
        %get3A_146 = arith.index_cast %scan3A_63 : i32 to index
        %get3A_147 = arith.constant 96 : index
        %get3A_148 = tpu.vector_load %arg14[%get3A_146, %get3A_147] {strides = array<i32>} : memref<128x128xf32, #tpu.memory_space<vmem>>, vector<1x16xf32>,
        %get3A_149 = vector.shape_cast %get3A_148 : vector<1x16xf32> to vector<16xf32>
        %get3A_150 = arith.index_cast %select_n3A : i32 to index
        %get3A_151 = arith.constant 96 : index
        %get3A_152 = tpu.vector_load %arg13[%get3A_150, %get3A_151] {strides = array<i32>} : memref<3x128xf32, #tpu.memory_space<vmem>>, vector<1x16xf32>,
        %get3A_153 = vector.shape_cast %get3A_152 : vector<1x16xf32> to vector<16xf32>
        %add3A_154 = arith.addf %get3A_149, %get3A_153 : vector<16xf32>
        %swap3A_155 = arith.index_cast %scan3A_63 : i32 to index
        %swap3A_156 = arith.constant 96 : index
        %swap3A_157 = tpu.vector_load %arg14[%swap3A_155, %swap3A_156] {strides = array<i32>} : memref<128x128xf32, #tpu.memory_space<vmem>>, vector<1x16xf32>,
        %swap3A_158 = vector.shape_cast %swap3A_157 : vector<1x16xf32> to vector<16xf32>
        %swap3A_159 = vector.shape_cast %add3A_154 : vector<16xf32> to vector<1x16xf32>
        tpu.vector_store %arg14[%swap3A_155, %swap3A_156], %swap3A_159 {strides = array<i32>} : memref<128x128xf32, #tpu.memory_space<vmem>>, vector<1x16xf32>,
        %get3A_160 = arith.index_cast %scan3A_63 : i32 to index
        %get3A_161 = arith.constant 112 : index
        %get3A_162 = tpu.vector_load %arg14[%get3A_160, %get3A_161] {strides = array<i32>} : memref<128x128xf32, #tpu.memory_space<vmem>>, vector<1x16xf32>,
        %get3A_163 = vector.shape_cast %get3A_162 : vector<1x16xf32> to vector<16xf32>
        %get3A_164 = arith.index_cast %select_n3A : i32 to index
        %get3A_165 = arith.constant 112 : index
        %get3A_166 = tpu.vector_load %arg13[%get3A_164, %get3A_165] {strides = array<i32>} : memref<3x128xf32, #tpu.memory_space<vmem>>, vector<1x16xf32>,
        %get3A_167 = vector.shape_cast %get3A_166 : vector<1x16xf32> to vector<16xf32>
        %add3A_168 = arith.addf %get3A_163, %get3A_167 : vector<16xf32>
        %swap3A_169 = arith.index_cast %scan3A_63 : i32 to index
        %swap3A_170 = arith.constant 112 : index
        %swap3A_171 = tpu.vector_load %arg14[%swap3A_169, %swap3A_170] {strides = array<i32>} : memref<128x128xf32, #tpu.memory_space<vmem>>, vector<1x16xf32>,
        %swap3A_172 = vector.shape_cast %swap3A_171 : vector<1x16xf32> to vector<16xf32>
        %swap3A_173 = vector.shape_cast %add3A_168 : vector<16xf32> to vector<1x16xf32>
        tpu.vector_store %arg14[%swap3A_169, %swap3A_170], %swap3A_173 {strides = array<i32>} : memref<128x128xf32, #tpu.memory_space<vmem>>, vector<1x16xf32>,
      }
      %scan3A_62 = arith.constant 40 : i32
      "tpu.region"() ({
        %run_scoped3A = tpu.sem_alloc : memref<!tpu.dma_semaphore, #tpu.memory_space<semaphore_mem>>
        %dma_start3A = arith.constant 0 : i32
        %dma_start3A_63 = arith.constant 0 : i32
        %dma_start3A_64 = tpu.memref_slice %arg14[%dma_start3A, %dma_start3A_63] : memref<128x128xf32, #tpu.memory_space<vmem>> -> memref<40x128xf32, #tpu.memory_space<vmem>>
        %dma_start3A_65 = arith.constant 0 : i32
        %dma_start3A_66 = tpu.memref_slice %arg9[%multiple_of3A, %dma_start3A_65] : memref<600x128xf32, #tpu.memory_space<vmem_shared>> -> memref<40x128xf32, #tpu.memory_space<vmem_shared>>
        %dma_start3A_67 = arith.constant 0 : i32
        %dma_start3A_68 = tpu.memref_slice %arg9[%multiple_of3A, %dma_start3A_67] : memref<600x128xf32, #tpu.memory_space<vmem_shared>> -> memref<40x128xf32, #tpu.memory_space<vmem_shared>>
        %dma_start3A_69 = arith.constant 0 : i32
        %dma_start3A_70 = arith.constant 0 : i32
        %dma_start3A_71 = tpu.memref_slice %arg14[%dma_start3A_69, %dma_start3A_70] : memref<128x128xf32, #tpu.memory_space<vmem>> -> memref<40x128xf32, #tpu.memory_space<vmem>>
        tpu.enqueue_dma source(%dma_start3A_71 : memref<40x128xf32, #tpu.memory_space<vmem>>) target(%dma_start3A_68 : memref<40x128xf32, #tpu.memory_space<vmem_shared>>) target_semaphore(%run_scoped3A : memref<!tpu.dma_semaphore, #tpu.memory_space<semaphore_mem>>)
        %dma_wait3A_72 = arith.constant 0 : i32
        %dma_wait3A_73 = arith.constant 0 : i32
        %dma_wait3A_74 = tpu.memref_slice %arg14[%dma_wait3A_72, %dma_wait3A_73] : memref<128x128xf32, #tpu.memory_space<vmem>> -> memref<40x128xf32, #tpu.memory_space<vmem>>
        %dma_wait3A_75 = arith.constant 0 : i32
        %dma_wait3A_76 = tpu.memref_slice %arg9[%multiple_of3A, %dma_wait3A_75] : memref<600x128xf32, #tpu.memory_space<vmem_shared>> -> memref<40x128xf32, #tpu.memory_space<vmem_shared>>
        %dma_wait3A_77 = arith.constant 0 : i32
        %dma_wait3A_78 = tpu.memref_slice %arg9[%multiple_of3A, %dma_wait3A_77] : memref<600x128xf32, #tpu.memory_space<vmem_shared>> -> memref<40x128xf32, #tpu.memory_space<vmem_shared>>
        %dma_wait3A_79 = arith.constant 0 : i32
        %dma_wait3A_80 = arith.constant 0 : i32
        %dma_wait3A_81 = tpu.memref_slice %arg14[%dma_wait3A_79, %dma_wait3A_80] : memref<128x128xf32, #tpu.memory_space<vmem>> -> memref<40x128xf32, #tpu.memory_space<vmem>>
        tpu.wait_dma2 semaphore(%run_scoped3A : memref<!tpu.dma_semaphore, #tpu.memory_space<semaphore_mem>>) src(%dma_wait3A_81 : memref<40x128xf32, #tpu.memory_space<vmem>>) dst(%dma_wait3A_78 : memref<40x128xf32, #tpu.memory_space<vmem_shared>>)
        tpu.yield
      }) : () -> ()
    } else {
    }
    "tpu.region"() ({
      %run_scoped3A = tpu.sem_alloc : memref<!tpu.dma_semaphore, #tpu.memory_space<semaphore_mem>>
      %dma_start3A = tpu.memref_slice %arg6[%mul3A_2] : memref<204800xi32, #tpu.memory_space<hbm>> -> memref<6400xi32, #tpu.memory_space<hbm>>
      %dma_start3A_35 = tpu.memref_slice %arg6[%mul3A_2] : memref<204800xi32, #tpu.memory_space<hbm>> -> memref<6400xi32, #tpu.memory_space<hbm>>
      tpu.enqueue_dma source(%dma_start3A_35 : memref<6400xi32, #tpu.memory_space<hbm>>) target(%arg10 : memref<6400xi32, #tpu.memory_space<vmem>>) target_semaphore(%run_scoped3A : memref<!tpu.dma_semaphore, #tpu.memory_space<semaphore_mem>>)
      %dma_wait3A_36 = tpu.memref_slice %arg6[%mul3A_2] : memref<204800xi32, #tpu.memory_space<hbm>> -> memref<6400xi32, #tpu.memory_space<hbm>>
      %dma_wait3A_37 = tpu.memref_slice %arg6[%mul3A_2] : memref<204800xi32, #tpu.memory_space<hbm>> -> memref<6400xi32, #tpu.memory_space<hbm>>
      tpu.wait_dma2 semaphore(%run_scoped3A : memref<!tpu.dma_semaphore, #tpu.memory_space<semaphore_mem>>) src(%dma_wait3A_37 : memref<6400xi32, #tpu.memory_space<hbm>>) dst(%arg10 : memref<6400xi32, #tpu.memory_space<vmem>>)
      tpu.yield
    }) : () -> ()
    "tpu.region"() ({
      %run_scoped3A = tpu.sem_alloc : memref<!tpu.dma_semaphore, #tpu.memory_space<semaphore_mem>>
      %dma_start3A = tpu.memref_slice %arg7[%mul3A_2] : memref<204800xi32, #tpu.memory_space<hbm>> -> memref<6400xi32, #tpu.memory_space<hbm>>
      %dma_start3A_35 = tpu.memref_slice %arg7[%mul3A_2] : memref<204800xi32, #tpu.memory_space<hbm>> -> memref<6400xi32, #tpu.memory_space<hbm>>
      tpu.enqueue_dma source(%dma_start3A_35 : memref<6400xi32, #tpu.memory_space<hbm>>) target(%arg11 : memref<6400xi32, #tpu.memory_space<vmem>>) target_semaphore(%run_scoped3A : memref<!tpu.dma_semaphore, #tpu.memory_space<semaphore_mem>>)
      %dma_wait3A_36 = tpu.memref_slice %arg7[%mul3A_2] : memref<204800xi32, #tpu.memory_space<hbm>> -> memref<6400xi32, #tpu.memory_space<hbm>>
      %dma_wait3A_37 = tpu.memref_slice %arg7[%mul3A_2] : memref<204800xi32, #tpu.memory_space<hbm>> -> memref<6400xi32, #tpu.memory_space<hbm>>
      tpu.wait_dma2 semaphore(%run_scoped3A : memref<!tpu.dma_semaphore, #tpu.memory_space<semaphore_mem>>) src(%dma_wait3A_37 : memref<6400xi32, #tpu.memory_space<hbm>>) dst(%arg11 : memref<6400xi32, #tpu.memory_space<vmem>>)
      tpu.yield
    }) : () -> ()
    "tpu.region"() ({
      %run_scoped3A = tpu.sem_alloc : memref<!tpu.dma_semaphore, #tpu.memory_space<semaphore_mem>>
      tpu.enqueue_dma source(%arg5 : memref<6400xi32, #tpu.memory_space<hbm>>) target(%arg12 : memref<6400xi32, #tpu.memory_space<vmem>>) target_semaphore(%run_scoped3A : memref<!tpu.dma_semaphore, #tpu.memory_space<semaphore_mem>>)
      tpu.wait_dma2 semaphore(%run_scoped3A : memref<!tpu.dma_semaphore, #tpu.memory_space<semaphore_mem>>) src(%arg5 : memref<6400xi32, #tpu.memory_space<hbm>>) dst(%arg12 : memref<6400xi32, #tpu.memory_space<vmem>>)
      tpu.yield
    }) : () -> ()
    %scan3A = arith.constant 0 : i32
    %scan3A_5 = arith.constant 0 : i32
    %scan3A_6 = arith.constant 400 : i32
    %scan3A_7 = arith.addi %scan3A_5, %scan3A_6 : i32
    %scan3A_8 = arith.constant 1 : i32
    scf.for %scan3A_35 = %scan3A_5 to %scan3A_7 step %scan3A_8  : i32 {
      %mul3A_36 = arith.constant 16 : i32
      %mul3A_37 = arith.muli %scan3A_35, %mul3A_36 : i32
      %multiple_of3A = tpu.assume_multiple %mul3A_37, 16 : i32
      %get3A = arith.index_cast %multiple_of3A : i32 to index
      %get3A_38 = tpu.vector_load %arg11[%get3A] {strides = array<i32>} : memref<6400xi32, #tpu.memory_space<vmem>>, vector<16xi32>,
      %get3A_39 = vector.shape_cast %get3A_38 : vector<16xi32> to vector<16xi32>
      %mul3A_40 = arith.constant 200 : i32
      %mul3A_41 = vector.broadcast %mul3A_40 : i32 to vector<16xi32>
      %mul3A_42 = arith.muli %get3A_39, %mul3A_41 : vector<16xi32>
      %get3A_43 = arith.index_cast %multiple_of3A : i32 to index
      %get3A_44 = tpu.vector_load %arg12[%get3A_43] {strides = array<i32>} : memref<6400xi32, #tpu.memory_space<vmem>>, vector<16xi32>,
      %get3A_45 = vector.shape_cast %get3A_44 : vector<16xi32> to vector<16xi32>
      %add3A_46 = arith.addi %mul3A_42, %get3A_45 : vector<16xi32>
      %swap3A = arith.index_cast %multiple_of3A : i32 to index
      %swap3A_47 = tpu.vector_load %arg11[%swap3A] {strides = array<i32>} : memref<6400xi32, #tpu.memory_space<vmem>>, vector<16xi32>,
      %swap3A_48 = vector.shape_cast %swap3A_47 : vector<16xi32> to vector<16xi32>
      %swap3A_49 = vector.shape_cast %add3A_46 : vector<16xi32> to vector<16xi32>
      tpu.vector_store %arg11[%swap3A], %swap3A_49 {strides = array<i32>} : memref<6400xi32, #tpu.memory_space<vmem>>, vector<16xi32>,
    }
    %scan3A_9 = arith.constant 400 : i32
    %barrier3A = arith.constant 0 : index
    tpu.barrier barrier_id(%barrier3A)
    %scan3A_10 = arith.constant 0 : i32
    %scan3A_11 = arith.constant 0 : i32
    %scan3A_12 = arith.constant 10 : i32
    %scan3A_13 = arith.addi %scan3A_11, %scan3A_12 : i32
    %scan3A_14 = arith.constant 1 : i32
    scf.for %scan3A_35 = %scan3A_11 to %scan3A_13 step %scan3A_14  : i32 {
      %mul3A_36 = arith.constant 5 : i32
      %mul3A_37 = arith.muli %scan3A_35, %mul3A_36 : i32
      %gt3A = arith.constant 0 : i32
      %gt3A_38 = arith.cmpi sgt, %scan3A_35, %gt3A : i32
      %convert_element_type3A_39 = arith.extui %gt3A_38 : i1 to i32
      %cond3A_40 = arith.constant 0 : i32
      %cond3A_41 = arith.cmpi ne, %convert_element_type3A_39, %cond3A_40 : i32
      scf.if %cond3A_41 {
        %dma_wait3A_235 = arith.constant 0 : i32
        %dma_wait3A_236 = tpu.memref_slice %arg8[%mul3A_2, %dma_wait3A_235] : memref<204800x128xf32, #tpu.memory_space<hbm>> -> memref<128x128xf32, #tpu.memory_space<hbm>>
        %dma_wait3A_237 = arith.constant 0 : i32
        %dma_wait3A_238 = tpu.memref_slice %arg8[%mul3A_2, %dma_wait3A_237] : memref<204800x128xf32, #tpu.memory_space<hbm>> -> memref<128x128xf32, #tpu.memory_space<hbm>>
        tpu.wait_dma2 semaphore(%arg29 : memref<!tpu.dma_semaphore, #tpu.memory_space<semaphore_mem>>) src(%arg14 : memref<128x128xf32, #tpu.memory_space<vmem>>) dst(%dma_wait3A_238 : memref<128x128xf32, #tpu.memory_space<hbm>>)
      } else {
      }
      %add3A_42 = arith.constant 0 : i32
      %add3A_43 = arith.addi %mul3A_37, %add3A_42 : i32
      %mul3A_44 = arith.constant 128 : i32
      %mul3A_45 = arith.muli %add3A_43, %mul3A_44 : i32
      %multiple_of3A = tpu.assume_multiple %mul3A_45, 128 : i32
      %dma_start3A = tpu.memref_slice %arg11[%multiple_of3A] : memref<6400xi32, #tpu.memory_space<vmem>> -> memref<128xi32, #tpu.memory_space<vmem>>
      %dma_start3A_46 = arith.constant 0 : i32
      %dma_start3A_47 = arith.constant 0 : i32
      %dma_start3A_48 = tpu.memref_slice %arg9[%dma_start3A_46, %dma_start3A_47] : memref<600x128xf32, #tpu.memory_space<vmem_shared>> -> memref<600x128xf32, #tpu.memory_space<vmem_shared>>
      tpu.enqueue_indirect_dma source(%dma_start3A_48 : memref<600x128xf32, #tpu.memory_space<vmem_shared>>) target(%arg14 : memref<128x128xf32, #tpu.memory_space<vmem>>) offsets(%dma_start3A : memref<128xi32, #tpu.memory_space<vmem>>) semaphore(%arg19 : memref<!tpu.dma_semaphore, #tpu.memory_space<semaphore_mem>>)
      %gt3A_49 = arith.constant 0 : i32
      %gt3A_50 = arith.cmpi sgt, %scan3A_35, %gt3A_49 : i32
      %convert_element_type3A_51 = arith.extui %gt3A_50 : i1 to i32
      %cond3A_52 = arith.constant 0 : i32
      %cond3A_53 = arith.cmpi ne, %convert_element_type3A_51, %cond3A_52 : i32
      scf.if %cond3A_53 {
        %dma_wait3A_235 = arith.constant 0 : i32
        %dma_wait3A_236 = tpu.memref_slice %arg8[%mul3A_2, %dma_wait3A_235] : memref<204800x128xf32, #tpu.memory_space<hbm>> -> memref<128x128xf32, #tpu.memory_space<hbm>>
        %dma_wait3A_237 = arith.constant 0 : i32
        %dma_wait3A_238 = tpu.memref_slice %arg8[%mul3A_2, %dma_wait3A_237] : memref<204800x128xf32, #tpu.memory_space<hbm>> -> memref<128x128xf32, #tpu.memory_space<hbm>>
        tpu.wait_dma2 semaphore(%arg30 : memref<!tpu.dma_semaphore, #tpu.memory_space<semaphore_mem>>) src(%arg15 : memref<128x128xf32, #tpu.memory_space<vmem>>) dst(%dma_wait3A_238 : memref<128x128xf32, #tpu.memory_space<hbm>>)
      } else {
      }
      %add3A_54 = arith.constant 1 : i32
      %add3A_55 = arith.addi %mul3A_37, %add3A_54 : i32
      %mul3A_56 = arith.constant 128 : i32
      %mul3A_57 = arith.muli %add3A_55, %mul3A_56 : i32
      %multiple_of3A_58 = tpu.assume_multiple %mul3A_57, 128 : i32
      %dma_start3A_59 = tpu.memref_slice %arg11[%multiple_of3A_58] : memref<6400xi32, #tpu.memory_space<vmem>> -> memref<128xi32, #tpu.memory_space<vmem>>
      %dma_start3A_60 = arith.constant 0 : i32
      %dma_start3A_61 = arith.constant 0 : i32
      %dma_start3A_62 = tpu.memref_slice %arg9[%dma_start3A_60, %dma_start3A_61] : memref<600x128xf32, #tpu.memory_space<vmem_shared>> -> memref<600x128xf32, #tpu.memory_space<vmem_shared>>
      tpu.enqueue_indirect_dma source(%dma_start3A_62 : memref<600x128xf32, #tpu.memory_space<vmem_shared>>) target(%arg15 : memref<128x128xf32, #tpu.memory_space<vmem>>) offsets(%dma_start3A_59 : memref<128xi32, #tpu.memory_space<vmem>>) semaphore(%arg20 : memref<!tpu.dma_semaphore, #tpu.memory_space<semaphore_mem>>)
      %gt3A_63 = arith.constant 0 : i32
      %gt3A_64 = arith.cmpi sgt, %scan3A_35, %gt3A_63 : i32
      %convert_element_type3A_65 = arith.extui %gt3A_64 : i1 to i32
      %cond3A_66 = arith.constant 0 : i32
      %cond3A_67 = arith.cmpi ne, %convert_element_type3A_65, %cond3A_66 : i32
      scf.if %cond3A_67 {
        %dma_wait3A_235 = arith.constant 0 : i32
        %dma_wait3A_236 = tpu.memref_slice %arg8[%mul3A_2, %dma_wait3A_235] : memref<204800x128xf32, #tpu.memory_space<hbm>> -> memref<128x128xf32, #tpu.memory_space<hbm>>
        %dma_wait3A_237 = arith.constant 0 : i32
        %dma_wait3A_238 = tpu.memref_slice %arg8[%mul3A_2, %dma_wait3A_237] : memref<204800x128xf32, #tpu.memory_space<hbm>> -> memref<128x128xf32, #tpu.memory_space<hbm>>
        tpu.wait_dma2 semaphore(%arg31 : memref<!tpu.dma_semaphore, #tpu.memory_space<semaphore_mem>>) src(%arg16 : memref<128x128xf32, #tpu.memory_space<vmem>>) dst(%dma_wait3A_238 : memref<128x128xf32, #tpu.memory_space<hbm>>)
      } else {
      }
      %add3A_68 = arith.constant 2 : i32
      %add3A_69 = arith.addi %mul3A_37, %add3A_68 : i32
      %mul3A_70 = arith.constant 128 : i32
      %mul3A_71 = arith.muli %add3A_69, %mul3A_70 : i32
      %multiple_of3A_72 = tpu.assume_multiple %mul3A_71, 128 : i32
      %dma_start3A_73 = tpu.memref_slice %arg11[%multiple_of3A_72] : memref<6400xi32, #tpu.memory_space<vmem>> -> memref<128xi32, #tpu.memory_space<vmem>>
      %dma_start3A_74 = arith.constant 0 : i32
      %dma_start3A_75 = arith.constant 0 : i32
      %dma_start3A_76 = tpu.memref_slice %arg9[%dma_start3A_74, %dma_start3A_75] : memref<600x128xf32, #tpu.memory_space<vmem_shared>> -> memref<600x128xf32, #tpu.memory_space<vmem_shared>>
      tpu.enqueue_indirect_dma source(%dma_start3A_76 : memref<600x128xf32, #tpu.memory_space<vmem_shared>>) target(%arg16 : memref<128x128xf32, #tpu.memory_space<vmem>>) offsets(%dma_start3A_73 : memref<128xi32, #tpu.memory_space<vmem>>) semaphore(%arg21 : memref<!tpu.dma_semaphore, #tpu.memory_space<semaphore_mem>>)
      %gt3A_77 = arith.constant 0 : i32
      %gt3A_78 = arith.cmpi sgt, %scan3A_35, %gt3A_77 : i32
      %convert_element_type3A_79 = arith.extui %gt3A_78 : i1 to i32
      %cond3A_80 = arith.constant 0 : i32
      %cond3A_81 = arith.cmpi ne, %convert_element_type3A_79, %cond3A_80 : i32
      scf.if %cond3A_81 {
        %dma_wait3A_235 = arith.constant 0 : i32
        %dma_wait3A_236 = tpu.memref_slice %arg8[%mul3A_2, %dma_wait3A_235] : memref<204800x128xf32, #tpu.memory_space<hbm>> -> memref<128x128xf32, #tpu.memory_space<hbm>>
        %dma_wait3A_237 = arith.constant 0 : i32
        %dma_wait3A_238 = tpu.memref_slice %arg8[%mul3A_2, %dma_wait3A_237] : memref<204800x128xf32, #tpu.memory_space<hbm>> -> memref<128x128xf32, #tpu.memory_space<hbm>>
        tpu.wait_dma2 semaphore(%arg32 : memref<!tpu.dma_semaphore, #tpu.memory_space<semaphore_mem>>) src(%arg17 : memref<128x128xf32, #tpu.memory_space<vmem>>) dst(%dma_wait3A_238 : memref<128x128xf32, #tpu.memory_space<hbm>>)
      } else {
      }
      %add3A_82 = arith.constant 3 : i32
      %add3A_83 = arith.addi %mul3A_37, %add3A_82 : i32
      %mul3A_84 = arith.constant 128 : i32
      %mul3A_85 = arith.muli %add3A_83, %mul3A_84 : i32
      %multiple_of3A_86 = tpu.assume_multiple %mul3A_85, 128 : i32
      %dma_start3A_87 = tpu.memref_slice %arg11[%multiple_of3A_86] : memref<6400xi32, #tpu.memory_space<vmem>> -> memref<128xi32, #tpu.memory_space<vmem>>
      %dma_start3A_88 = arith.constant 0 : i32
      %dma_start3A_89 = arith.constant 0 : i32
      %dma_start3A_90 = tpu.memref_slice %arg9[%dma_start3A_88, %dma_start3A_89] : memref<600x128xf32, #tpu.memory_space<vmem_shared>> -> memref<600x128xf32, #tpu.memory_space<vmem_shared>>
      tpu.enqueue_indirect_dma source(%dma_start3A_90 : memref<600x128xf32, #tpu.memory_space<vmem_shared>>) target(%arg17 : memref<128x128xf32, #tpu.memory_space<vmem>>) offsets(%dma_start3A_87 : memref<128xi32, #tpu.memory_space<vmem>>) semaphore(%arg22 : memref<!tpu.dma_semaphore, #tpu.memory_space<semaphore_mem>>)
      %gt3A_91 = arith.constant 0 : i32
      %gt3A_92 = arith.cmpi sgt, %scan3A_35, %gt3A_91 : i32
      %convert_element_type3A_93 = arith.extui %gt3A_92 : i1 to i32
      %cond3A_94 = arith.constant 0 : i32
      %cond3A_95 = arith.cmpi ne, %convert_element_type3A_93, %cond3A_94 : i32
      scf.if %cond3A_95 {
        %dma_wait3A_235 = arith.constant 0 : i32
        %dma_wait3A_236 = tpu.memref_slice %arg8[%mul3A_2, %dma_wait3A_235] : memref<204800x128xf32, #tpu.memory_space<hbm>> -> memref<128x128xf32, #tpu.memory_space<hbm>>
        %dma_wait3A_237 = arith.constant 0 : i32
        %dma_wait3A_238 = tpu.memref_slice %arg8[%mul3A_2, %dma_wait3A_237] : memref<204800x128xf32, #tpu.memory_space<hbm>> -> memref<128x128xf32, #tpu.memory_space<hbm>>
        tpu.wait_dma2 semaphore(%arg33 : memref<!tpu.dma_semaphore, #tpu.memory_space<semaphore_mem>>) src(%arg18 : memref<128x128xf32, #tpu.memory_space<vmem>>) dst(%dma_wait3A_238 : memref<128x128xf32, #tpu.memory_space<hbm>>)
      } else {
      }
      %add3A_96 = arith.constant 4 : i32
      %add3A_97 = arith.addi %mul3A_37, %add3A_96 : i32
      %mul3A_98 = arith.constant 128 : i32
      %mul3A_99 = arith.muli %add3A_97, %mul3A_98 : i32
      %multiple_of3A_100 = tpu.assume_multiple %mul3A_99, 128 : i32
      %dma_start3A_101 = tpu.memref_slice %arg11[%multiple_of3A_100] : memref<6400xi32, #tpu.memory_space<vmem>> -> memref<128xi32, #tpu.memory_space<vmem>>
      %dma_start3A_102 = arith.constant 0 : i32
      %dma_start3A_103 = arith.constant 0 : i32
      %dma_start3A_104 = tpu.memref_slice %arg9[%dma_start3A_102, %dma_start3A_103] : memref<600x128xf32, #tpu.memory_space<vmem_shared>> -> memref<600x128xf32, #tpu.memory_space<vmem_shared>>
      tpu.enqueue_indirect_dma source(%dma_start3A_104 : memref<600x128xf32, #tpu.memory_space<vmem_shared>>) target(%arg18 : memref<128x128xf32, #tpu.memory_space<vmem>>) offsets(%dma_start3A_101 : memref<128xi32, #tpu.memory_space<vmem>>) semaphore(%arg23 : memref<!tpu.dma_semaphore, #tpu.memory_space<semaphore_mem>>)
      %dma_wait3A_105 = tpu.memref_slice %arg11[%multiple_of3A] : memref<6400xi32, #tpu.memory_space<vmem>> -> memref<128xi32, #tpu.memory_space<vmem>>
      %dma_wait3A_106 = arith.constant 0 : i32
      %dma_wait3A_107 = arith.constant 0 : i32
      %dma_wait3A_108 = tpu.memref_slice %arg9[%dma_wait3A_106, %dma_wait3A_107] : memref<600x128xf32, #tpu.memory_space<vmem_shared>> -> memref<600x128xf32, #tpu.memory_space<vmem_shared>>
      tpu.wait_indirect_dma semaphore(%arg19 : memref<!tpu.dma_semaphore, #tpu.memory_space<semaphore_mem>>) src(%dma_wait3A_108 : memref<600x128xf32, #tpu.memory_space<vmem_shared>>) dst(%arg14 : memref<128x128xf32, #tpu.memory_space<vmem>>)
      %add3A_109 = arith.constant 0 : i32
      %add3A_110 = arith.addi %mul3A_37, %add3A_109 : i32
      %mul3A_111 = arith.constant 128 : i32
      %mul3A_112 = arith.muli %add3A_110, %mul3A_111 : i32
      %multiple_of3A_113 = tpu.assume_multiple %mul3A_112, 128 : i32
      %dma_start3A_114 = tpu.memref_slice %arg10[%multiple_of3A_113] : memref<6400xi32, #tpu.memory_space<vmem>> -> memref<128xi32, #tpu.memory_space<vmem>>
      %dma_start3A_115 = arith.constant 0 : i32
      %dma_start3A_116 = arith.constant 0 : i32
      %dma_start3A_117 = tpu.memref_slice %arg2[%dma_start3A_115, %dma_start3A_116] : memref<100001x128xf32, #tpu.memory_space<hbm>> -> memref<100001x128xf32, #tpu.memory_space<hbm>>
      tpu.enqueue_indirect_dma source(%dma_start3A_117 : memref<100001x128xf32, #tpu.memory_space<hbm>>) target(%arg14 : memref<128x128xf32, #tpu.memory_space<vmem>>) offsets(%dma_start3A_114 : memref<128xi32, #tpu.memory_space<vmem>>) semaphore(%arg24 : memref<!tpu.dma_semaphore, #tpu.memory_space<semaphore_mem>>) {add = true}
      %dma_wait3A_118 = tpu.memref_slice %arg11[%multiple_of3A_58] : memref<6400xi32, #tpu.memory_space<vmem>> -> memref<128xi32, #tpu.memory_space<vmem>>
      %dma_wait3A_119 = arith.constant 0 : i32
      %dma_wait3A_120 = arith.constant 0 : i32
      %dma_wait3A_121 = tpu.memref_slice %arg9[%dma_wait3A_119, %dma_wait3A_120] : memref<600x128xf32, #tpu.memory_space<vmem_shared>> -> memref<600x128xf32, #tpu.memory_space<vmem_shared>>
      tpu.wait_indirect_dma semaphore(%arg20 : memref<!tpu.dma_semaphore, #tpu.memory_space<semaphore_mem>>) src(%dma_wait3A_121 : memref<600x128xf32, #tpu.memory_space<vmem_shared>>) dst(%arg15 : memref<128x128xf32, #tpu.memory_space<vmem>>)
      %add3A_122 = arith.constant 1 : i32
      %add3A_123 = arith.addi %mul3A_37, %add3A_122 : i32
      %mul3A_124 = arith.constant 128 : i32
      %mul3A_125 = arith.muli %add3A_123, %mul3A_124 : i32
      %multiple_of3A_126 = tpu.assume_multiple %mul3A_125, 128 : i32
      %dma_start3A_127 = tpu.memref_slice %arg10[%multiple_of3A_126] : memref<6400xi32, #tpu.memory_space<vmem>> -> memref<128xi32, #tpu.memory_space<vmem>>
      %dma_start3A_128 = arith.constant 0 : i32
      %dma_start3A_129 = arith.constant 0 : i32
      %dma_start3A_130 = tpu.memref_slice %arg2[%dma_start3A_128, %dma_start3A_129] : memref<100001x128xf32, #tpu.memory_space<hbm>> -> memref<100001x128xf32, #tpu.memory_space<hbm>>
      tpu.enqueue_indirect_dma source(%dma_start3A_130 : memref<100001x128xf32, #tpu.memory_space<hbm>>) target(%arg15 : memref<128x128xf32, #tpu.memory_space<vmem>>) offsets(%dma_start3A_127 : memref<128xi32, #tpu.memory_space<vmem>>) semaphore(%arg25 : memref<!tpu.dma_semaphore, #tpu.memory_space<semaphore_mem>>) {add = true}
      %dma_wait3A_131 = tpu.memref_slice %arg11[%multiple_of3A_72] : memref<6400xi32, #tpu.memory_space<vmem>> -> memref<128xi32, #tpu.memory_space<vmem>>
      %dma_wait3A_132 = arith.constant 0 : i32
      %dma_wait3A_133 = arith.constant 0 : i32
      %dma_wait3A_134 = tpu.memref_slice %arg9[%dma_wait3A_132, %dma_wait3A_133] : memref<600x128xf32, #tpu.memory_space<vmem_shared>> -> memref<600x128xf32, #tpu.memory_space<vmem_shared>>
      tpu.wait_indirect_dma semaphore(%arg21 : memref<!tpu.dma_semaphore, #tpu.memory_space<semaphore_mem>>) src(%dma_wait3A_134 : memref<600x128xf32, #tpu.memory_space<vmem_shared>>) dst(%arg16 : memref<128x128xf32, #tpu.memory_space<vmem>>)
      %add3A_135 = arith.constant 2 : i32
      %add3A_136 = arith.addi %mul3A_37, %add3A_135 : i32
      %mul3A_137 = arith.constant 128 : i32
      %mul3A_138 = arith.muli %add3A_136, %mul3A_137 : i32
      %multiple_of3A_139 = tpu.assume_multiple %mul3A_138, 128 : i32
      %dma_start3A_140 = tpu.memref_slice %arg10[%multiple_of3A_139] : memref<6400xi32, #tpu.memory_space<vmem>> -> memref<128xi32, #tpu.memory_space<vmem>>
      %dma_start3A_141 = arith.constant 0 : i32
      %dma_start3A_142 = arith.constant 0 : i32
      %dma_start3A_143 = tpu.memref_slice %arg2[%dma_start3A_141, %dma_start3A_142] : memref<100001x128xf32, #tpu.memory_space<hbm>> -> memref<100001x128xf32, #tpu.memory_space<hbm>>
      tpu.enqueue_indirect_dma source(%dma_start3A_143 : memref<100001x128xf32, #tpu.memory_space<hbm>>) target(%arg16 : memref<128x128xf32, #tpu.memory_space<vmem>>) offsets(%dma_start3A_140 : memref<128xi32, #tpu.memory_space<vmem>>) semaphore(%arg26 : memref<!tpu.dma_semaphore, #tpu.memory_space<semaphore_mem>>) {add = true}
      %dma_wait3A_144 = tpu.memref_slice %arg11[%multiple_of3A_86] : memref<6400xi32, #tpu.memory_space<vmem>> -> memref<128xi32, #tpu.memory_space<vmem>>
      %dma_wait3A_145 = arith.constant 0 : i32
      %dma_wait3A_146 = arith.constant 0 : i32
      %dma_wait3A_147 = tpu.memref_slice %arg9[%dma_wait3A_145, %dma_wait3A_146] : memref<600x128xf32, #tpu.memory_space<vmem_shared>> -> memref<600x128xf32, #tpu.memory_space<vmem_shared>>
      tpu.wait_indirect_dma semaphore(%arg22 : memref<!tpu.dma_semaphore, #tpu.memory_space<semaphore_mem>>) src(%dma_wait3A_147 : memref<600x128xf32, #tpu.memory_space<vmem_shared>>) dst(%arg17 : memref<128x128xf32, #tpu.memory_space<vmem>>)
      %add3A_148 = arith.constant 3 : i32
      %add3A_149 = arith.addi %mul3A_37, %add3A_148 : i32
      %mul3A_150 = arith.constant 128 : i32
      %mul3A_151 = arith.muli %add3A_149, %mul3A_150 : i32
      %multiple_of3A_152 = tpu.assume_multiple %mul3A_151, 128 : i32
      %dma_start3A_153 = tpu.memref_slice %arg10[%multiple_of3A_152] : memref<6400xi32, #tpu.memory_space<vmem>> -> memref<128xi32, #tpu.memory_space<vmem>>
      %dma_start3A_154 = arith.constant 0 : i32
      %dma_start3A_155 = arith.constant 0 : i32
      %dma_start3A_156 = tpu.memref_slice %arg2[%dma_start3A_154, %dma_start3A_155] : memref<100001x128xf32, #tpu.memory_space<hbm>> -> memref<100001x128xf32, #tpu.memory_space<hbm>>
      tpu.enqueue_indirect_dma source(%dma_start3A_156 : memref<100001x128xf32, #tpu.memory_space<hbm>>) target(%arg17 : memref<128x128xf32, #tpu.memory_space<vmem>>) offsets(%dma_start3A_153 : memref<128xi32, #tpu.memory_space<vmem>>) semaphore(%arg27 : memref<!tpu.dma_semaphore, #tpu.memory_space<semaphore_mem>>) {add = true}
      %dma_wait3A_157 = tpu.memref_slice %arg11[%multiple_of3A_100] : memref<6400xi32, #tpu.memory_space<vmem>> -> memref<128xi32, #tpu.memory_space<vmem>>
      %dma_wait3A_158 = arith.constant 0 : i32
      %dma_wait3A_159 = arith.constant 0 : i32
      %dma_wait3A_160 = tpu.memref_slice %arg9[%dma_wait3A_158, %dma_wait3A_159] : memref<600x128xf32, #tpu.memory_space<vmem_shared>> -> memref<600x128xf32, #tpu.memory_space<vmem_shared>>
      tpu.wait_indirect_dma semaphore(%arg23 : memref<!tpu.dma_semaphore, #tpu.memory_space<semaphore_mem>>) src(%dma_wait3A_160 : memref<600x128xf32, #tpu.memory_space<vmem_shared>>) dst(%arg18 : memref<128x128xf32, #tpu.memory_space<vmem>>)
      %add3A_161 = arith.constant 4 : i32
      %add3A_162 = arith.addi %mul3A_37, %add3A_161 : i32
      %mul3A_163 = arith.constant 128 : i32
      %mul3A_164 = arith.muli %add3A_162, %mul3A_163 : i32
      %multiple_of3A_165 = tpu.assume_multiple %mul3A_164, 128 : i32
      %dma_start3A_166 = tpu.memref_slice %arg10[%multiple_of3A_165] : memref<6400xi32, #tpu.memory_space<vmem>> -> memref<128xi32, #tpu.memory_space<vmem>>
      %dma_start3A_167 = arith.constant 0 : i32
      %dma_start3A_168 = arith.constant 0 : i32
      %dma_start3A_169 = tpu.memref_slice %arg2[%dma_start3A_167, %dma_start3A_168] : memref<100001x128xf32, #tpu.memory_space<hbm>> -> memref<100001x128xf32, #tpu.memory_space<hbm>>
      tpu.enqueue_indirect_dma source(%dma_start3A_169 : memref<100001x128xf32, #tpu.memory_space<hbm>>) target(%arg18 : memref<128x128xf32, #tpu.memory_space<vmem>>) offsets(%dma_start3A_166 : memref<128xi32, #tpu.memory_space<vmem>>) semaphore(%arg28 : memref<!tpu.dma_semaphore, #tpu.memory_space<semaphore_mem>>) {add = true}
      %dma_wait3A_170 = tpu.memref_slice %arg10[%multiple_of3A_113] : memref<6400xi32, #tpu.memory_space<vmem>> -> memref<128xi32, #tpu.memory_space<vmem>>
      %dma_wait3A_171 = arith.constant 0 : i32
      %dma_wait3A_172 = arith.constant 0 : i32
      %dma_wait3A_173 = tpu.memref_slice %arg2[%dma_wait3A_171, %dma_wait3A_172] : memref<100001x128xf32, #tpu.memory_space<hbm>> -> memref<100001x128xf32, #tpu.memory_space<hbm>>
      tpu.wait_indirect_dma semaphore(%arg24 : memref<!tpu.dma_semaphore, #tpu.memory_space<semaphore_mem>>) src(%dma_wait3A_173 : memref<100001x128xf32, #tpu.memory_space<hbm>>) dst(%arg14 : memref<128x128xf32, #tpu.memory_space<vmem>>)
      %add3A_174 = arith.constant 0 : i32
      %add3A_175 = arith.addi %mul3A_37, %add3A_174 : i32
      %mul3A_176 = arith.constant 128 : i32
      %mul3A_177 = arith.muli %add3A_175, %mul3A_176 : i32
      %add3A_178 = arith.addi %mul3A_2, %mul3A_177 : i32
      %dma_start3A_179 = arith.constant 0 : i32
      %dma_start3A_180 = tpu.memref_slice %arg8[%add3A_178, %dma_start3A_179] : memref<204800x128xf32, #tpu.memory_space<hbm>> -> memref<128x128xf32, #tpu.memory_space<hbm>>
      %dma_start3A_181 = arith.constant 0 : i32
      %dma_start3A_182 = tpu.memref_slice %arg8[%add3A_178, %dma_start3A_181] : memref<204800x128xf32, #tpu.memory_space<hbm>> -> memref<128x128xf32, #tpu.memory_space<hbm>>
      tpu.enqueue_dma source(%arg14 : memref<128x128xf32, #tpu.memory_space<vmem>>) target(%dma_start3A_182 : memref<128x128xf32, #tpu.memory_space<hbm>>) target_semaphore(%arg29 : memref<!tpu.dma_semaphore, #tpu.memory_space<semaphore_mem>>)
      %dma_wait3A_183 = tpu.memref_slice %arg10[%multiple_of3A_126] : memref<6400xi32, #tpu.memory_space<vmem>> -> memref<128xi32, #tpu.memory_space<vmem>>
      %dma_wait3A_184 = arith.constant 0 : i32
      %dma_wait3A_185 = arith.constant 0 : i32
      %dma_wait3A_186 = tpu.memref_slice %arg2[%dma_wait3A_184, %dma_wait3A_185] : memref<100001x128xf32, #tpu.memory_space<hbm>> -> memref<100001x128xf32, #tpu.memory_space<hbm>>
      tpu.wait_indirect_dma semaphore(%arg25 : memref<!tpu.dma_semaphore, #tpu.memory_space<semaphore_mem>>) src(%dma_wait3A_186 : memref<100001x128xf32, #tpu.memory_space<hbm>>) dst(%arg15 : memref<128x128xf32, #tpu.memory_space<vmem>>)
      %add3A_187 = arith.constant 1 : i32
      %add3A_188 = arith.addi %mul3A_37, %add3A_187 : i32
      %mul3A_189 = arith.constant 128 : i32
      %mul3A_190 = arith.muli %add3A_188, %mul3A_189 : i32
      %add3A_191 = arith.addi %mul3A_2, %mul3A_190 : i32
      %dma_start3A_192 = arith.constant 0 : i32
      %dma_start3A_193 = tpu.memref_slice %arg8[%add3A_191, %dma_start3A_192] : memref<204800x128xf32, #tpu.memory_space<hbm>> -> memref<128x128xf32, #tpu.memory_space<hbm>>
      %dma_start3A_194 = arith.constant 0 : i32
      %dma_start3A_195 = tpu.memref_slice %arg8[%add3A_191, %dma_start3A_194] : memref<204800x128xf32, #tpu.memory_space<hbm>> -> memref<128x128xf32, #tpu.memory_space<hbm>>
      tpu.enqueue_dma source(%arg15 : memref<128x128xf32, #tpu.memory_space<vmem>>) target(%dma_start3A_195 : memref<128x128xf32, #tpu.memory_space<hbm>>) target_semaphore(%arg30 : memref<!tpu.dma_semaphore, #tpu.memory_space<semaphore_mem>>)
      %dma_wait3A_196 = tpu.memref_slice %arg10[%multiple_of3A_139] : memref<6400xi32, #tpu.memory_space<vmem>> -> memref<128xi32, #tpu.memory_space<vmem>>
      %dma_wait3A_197 = arith.constant 0 : i32
      %dma_wait3A_198 = arith.constant 0 : i32
      %dma_wait3A_199 = tpu.memref_slice %arg2[%dma_wait3A_197, %dma_wait3A_198] : memref<100001x128xf32, #tpu.memory_space<hbm>> -> memref<100001x128xf32, #tpu.memory_space<hbm>>
      tpu.wait_indirect_dma semaphore(%arg26 : memref<!tpu.dma_semaphore, #tpu.memory_space<semaphore_mem>>) src(%dma_wait3A_199 : memref<100001x128xf32, #tpu.memory_space<hbm>>) dst(%arg16 : memref<128x128xf32, #tpu.memory_space<vmem>>)
      %add3A_200 = arith.constant 2 : i32
      %add3A_201 = arith.addi %mul3A_37, %add3A_200 : i32
      %mul3A_202 = arith.constant 128 : i32
      %mul3A_203 = arith.muli %add3A_201, %mul3A_202 : i32
      %add3A_204 = arith.addi %mul3A_2, %mul3A_203 : i32
      %dma_start3A_205 = arith.constant 0 : i32
      %dma_start3A_206 = tpu.memref_slice %arg8[%add3A_204, %dma_start3A_205] : memref<204800x128xf32, #tpu.memory_space<hbm>> -> memref<128x128xf32, #tpu.memory_space<hbm>>
      %dma_start3A_207 = arith.constant 0 : i32
      %dma_start3A_208 = tpu.memref_slice %arg8[%add3A_204, %dma_start3A_207] : memref<204800x128xf32, #tpu.memory_space<hbm>> -> memref<128x128xf32, #tpu.memory_space<hbm>>
      tpu.enqueue_dma source(%arg16 : memref<128x128xf32, #tpu.memory_space<vmem>>) target(%dma_start3A_208 : memref<128x128xf32, #tpu.memory_space<hbm>>) target_semaphore(%arg31 : memref<!tpu.dma_semaphore, #tpu.memory_space<semaphore_mem>>)
      %dma_wait3A_209 = tpu.memref_slice %arg10[%multiple_of3A_152] : memref<6400xi32, #tpu.memory_space<vmem>> -> memref<128xi32, #tpu.memory_space<vmem>>
      %dma_wait3A_210 = arith.constant 0 : i32
      %dma_wait3A_211 = arith.constant 0 : i32
      %dma_wait3A_212 = tpu.memref_slice %arg2[%dma_wait3A_210, %dma_wait3A_211] : memref<100001x128xf32, #tpu.memory_space<hbm>> -> memref<100001x128xf32, #tpu.memory_space<hbm>>
      tpu.wait_indirect_dma semaphore(%arg27 : memref<!tpu.dma_semaphore, #tpu.memory_space<semaphore_mem>>) src(%dma_wait3A_212 : memref<100001x128xf32, #tpu.memory_space<hbm>>) dst(%arg17 : memref<128x128xf32, #tpu.memory_space<vmem>>)
      %add3A_213 = arith.constant 3 : i32
      %add3A_214 = arith.addi %mul3A_37, %add3A_213 : i32
      %mul3A_215 = arith.constant 128 : i32
      %mul3A_216 = arith.muli %add3A_214, %mul3A_215 : i32
      %add3A_217 = arith.addi %mul3A_2, %mul3A_216 : i32
      %dma_start3A_218 = arith.constant 0 : i32
      %dma_start3A_219 = tpu.memref_slice %arg8[%add3A_217, %dma_start3A_218] : memref<204800x128xf32, #tpu.memory_space<hbm>> -> memref<128x128xf32, #tpu.memory_space<hbm>>
      %dma_start3A_220 = arith.constant 0 : i32
      %dma_start3A_221 = tpu.memref_slice %arg8[%add3A_217, %dma_start3A_220] : memref<204800x128xf32, #tpu.memory_space<hbm>> -> memref<128x128xf32, #tpu.memory_space<hbm>>
      tpu.enqueue_dma source(%arg17 : memref<128x128xf32, #tpu.memory_space<vmem>>) target(%dma_start3A_221 : memref<128x128xf32, #tpu.memory_space<hbm>>) target_semaphore(%arg32 : memref<!tpu.dma_semaphore, #tpu.memory_space<semaphore_mem>>)
      %dma_wait3A_222 = tpu.memref_slice %arg10[%multiple_of3A_165] : memref<6400xi32, #tpu.memory_space<vmem>> -> memref<128xi32, #tpu.memory_space<vmem>>
      %dma_wait3A_223 = arith.constant 0 : i32
      %dma_wait3A_224 = arith.constant 0 : i32
      %dma_wait3A_225 = tpu.memref_slice %arg2[%dma_wait3A_223, %dma_wait3A_224] : memref<100001x128xf32, #tpu.memory_space<hbm>> -> memref<100001x128xf32, #tpu.memory_space<hbm>>
      tpu.wait_indirect_dma semaphore(%arg28 : memref<!tpu.dma_semaphore, #tpu.memory_space<semaphore_mem>>) src(%dma_wait3A_225 : memref<100001x128xf32, #tpu.memory_space<hbm>>) dst(%arg18 : memref<128x128xf32, #tpu.memory_space<vmem>>)
      %add3A_226 = arith.constant 4 : i32
      %add3A_227 = arith.addi %mul3A_37, %add3A_226 : i32
      %mul3A_228 = arith.constant 128 : i32
      %mul3A_229 = arith.muli %add3A_227, %mul3A_228 : i32
      %add3A_230 = arith.addi %mul3A_2, %mul3A_229 : i32
      %dma_start3A_231 = arith.constant 0 : i32
      %dma_start3A_232 = tpu.memref_slice %arg8[%add3A_230, %dma_start3A_231] : memref<204800x128xf32, #tpu.memory_space<hbm>> -> memref<128x128xf32, #tpu.memory_space<hbm>>
      %dma_start3A_233 = arith.constant 0 : i32
      %dma_start3A_234 = tpu.memref_slice %arg8[%add3A_230, %dma_start3A_233] : memref<204800x128xf32, #tpu.memory_space<hbm>> -> memref<128x128xf32, #tpu.memory_space<hbm>>
      tpu.enqueue_dma source(%arg18 : memref<128x128xf32, #tpu.memory_space<vmem>>) target(%dma_start3A_234 : memref<128x128xf32, #tpu.memory_space<hbm>>) target_semaphore(%arg33 : memref<!tpu.dma_semaphore, #tpu.memory_space<semaphore_mem>>)
    }
    %scan3A_15 = arith.constant 10 : i32
    %dma_wait3A = arith.constant 0 : i32
    %dma_wait3A_16 = tpu.memref_slice %arg8[%mul3A_2, %dma_wait3A] : memref<204800x128xf32, #tpu.memory_space<hbm>> -> memref<128x128xf32, #tpu.memory_space<hbm>>
    %dma_wait3A_17 = arith.constant 0 : i32
    %dma_wait3A_18 = tpu.memref_slice %arg8[%mul3A_2, %dma_wait3A_17] : memref<204800x128xf32, #tpu.memory_space<hbm>> -> memref<128x128xf32, #tpu.memory_space<hbm>>
    tpu.wait_dma2 semaphore(%arg29 : memref<!tpu.dma_semaphore, #tpu.memory_space<semaphore_mem>>) src(%arg14 : memref<128x128xf32, #tpu.memory_space<vmem>>) dst(%dma_wait3A_18 : memref<128x128xf32, #tpu.memory_space<hbm>>)
    %dma_wait3A_19 = arith.constant 0 : i32
    %dma_wait3A_20 = tpu.memref_slice %arg8[%mul3A_2, %dma_wait3A_19] : memref<204800x128xf32, #tpu.memory_space<hbm>> -> memref<128x128xf32, #tpu.memory_space<hbm>>
    %dma_wait3A_21 = arith.constant 0 : i32
    %dma_wait3A_22 = tpu.memref_slice %arg8[%mul3A_2, %dma_wait3A_21] : memref<204800x128xf32, #tpu.memory_space<hbm>> -> memref<128x128xf32, #tpu.memory_space<hbm>>
    tpu.wait_dma2 semaphore(%arg30 : memref<!tpu.dma_semaphore, #tpu.memory_space<semaphore_mem>>) src(%arg15 : memref<128x128xf32, #tpu.memory_space<vmem>>) dst(%dma_wait3A_22 : memref<128x128xf32, #tpu.memory_space<hbm>>)
    %dma_wait3A_23 = arith.constant 0 : i32
    %dma_wait3A_24 = tpu.memref_slice %arg8[%mul3A_2, %dma_wait3A_23] : memref<204800x128xf32, #tpu.memory_space<hbm>> -> memref<128x128xf32, #tpu.memory_space<hbm>>
    %dma_wait3A_25 = arith.constant 0 : i32
    %dma_wait3A_26 = tpu.memref_slice %arg8[%mul3A_2, %dma_wait3A_25] : memref<204800x128xf32, #tpu.memory_space<hbm>> -> memref<128x128xf32, #tpu.memory_space<hbm>>
    tpu.wait_dma2 semaphore(%arg31 : memref<!tpu.dma_semaphore, #tpu.memory_space<semaphore_mem>>) src(%arg16 : memref<128x128xf32, #tpu.memory_space<vmem>>) dst(%dma_wait3A_26 : memref<128x128xf32, #tpu.memory_space<hbm>>)
    %dma_wait3A_27 = arith.constant 0 : i32
    %dma_wait3A_28 = tpu.memref_slice %arg8[%mul3A_2, %dma_wait3A_27] : memref<204800x128xf32, #tpu.memory_space<hbm>> -> memref<128x128xf32, #tpu.memory_space<hbm>>
    %dma_wait3A_29 = arith.constant 0 : i32
    %dma_wait3A_30 = tpu.memref_slice %arg8[%mul3A_2, %dma_wait3A_29] : memref<204800x128xf32, #tpu.memory_space<hbm>> -> memref<128x128xf32, #tpu.memory_space<hbm>>
    tpu.wait_dma2 semaphore(%arg32 : memref<!tpu.dma_semaphore, #tpu.memory_space<semaphore_mem>>) src(%arg17 : memref<128x128xf32, #tpu.memory_space<vmem>>) dst(%dma_wait3A_30 : memref<128x128xf32, #tpu.memory_space<hbm>>)
    %dma_wait3A_31 = arith.constant 0 : i32
    %dma_wait3A_32 = tpu.memref_slice %arg8[%mul3A_2, %dma_wait3A_31] : memref<204800x128xf32, #tpu.memory_space<hbm>> -> memref<128x128xf32, #tpu.memory_space<hbm>>
    %dma_wait3A_33 = arith.constant 0 : i32
    %dma_wait3A_34 = tpu.memref_slice %arg8[%mul3A_2, %dma_wait3A_33] : memref<204800x128xf32, #tpu.memory_space<hbm>> -> memref<128x128xf32, #tpu.memory_space<hbm>>
    tpu.wait_dma2 semaphore(%arg33 : memref<!tpu.dma_semaphore, #tpu.memory_space<semaphore_mem>>) src(%arg18 : memref<128x128xf32, #tpu.memory_space<vmem>>) dst(%dma_wait3A_34 : memref<128x128xf32, #tpu.memory_space<hbm>>)
    return
  }
}

</mosaic_0001>

<sc_bundles>
// kernel: _sc_run.3.cloned.1.call-start
scs
__scs_entry_jumppad:
0x0: {  	(pc) =	sbr.rel $0x88, $3  }
0x1: {  	(tag) =	ssettag $0x0;
	lr =	simm.s32 $0x1  }
0x2: {  	[smem:$0x3F9B] =	sst lr;
	_ =	strace $0xD0000000  }
0x3: {  	_ = 	snop  }
0x4: {  	_ = 	snop  }
0x5: {  	_ = 	snop  }
0x6: {  	_ = 	snop  }
0x7: {  	_ = 	snop  }
__scs_overlays_trampoline_lowered:
0x8: {  	[smem:$0x3FAA] =	sst s0  }
0x9: {  	[smem:$0x3FAB] =	sst s1  }
0xa: {  	[smem:$0x3FAC] =	sst s2  }
0xb: {  	[smem:$0x3FAD] =	sst s3  }
0xc: {  	[smem:$0x3FAE] =	sst s4  }
0xd: {  	[smem:$0x3FAF] =	sst s5  }
0xe: {  	[smem:$0x3FB0] =	sst s6  }
0xf: {  	[smem:$0x3FB1] =	sst s7  }
0x10: {  	[smem:$0x3FB2] =	sst s8  }
0x11: {  	[smem:$0x3FB3] =	sst s9;
	s0 =	simm.s32 @!p0 $0x0  }
0x12: {  	s1 =	sld [smem:$0x3F99];
	s0 =	simm.s32 @p0 $0x1  }
0x13: {  	[smem:$0x3FB4] =	sst s0;
	s0 =	simm.s32 @!p1 $0x0  }
0x14: {  	s2 =	sld [smem:$0x3F98];
	s0 =	simm.s32 @p1 $0x1  }
0x15: {  	[smem:$0x3FB5] =	sst s0;
	s0 =	simm.s32 @!p2 $0x0  }
0x16: {  	s3 =	sld [smem:$0x3FDB];
	s0 =	simm.s32 @p2 $0x1  }
0x17: {  	s4 =	simm.s32 $0x1BF5;
	[smem:$0x3FB7] =	sst s0  }
0x18: {  	s0 =	sld [smem:$0x3F9A];
	_ =	swait.ge [sflag:s4], $0x0  }
0x19: {  	s7 =	sld [smem:$0x3F9B]  }
0x1a: {  	s8 =	sadd.s32 $0xFFFFE003, lr  }
0x1b: {  	s9 =	sadd.s32 $0xFFFFFEF7, lr;
	s5 =	simm.s32 $0xFFFFFFFF;
	p2 =	slt.u32 s8, $0xFFFFF086  }
0x1c: {  	p1 =	slt.u32 s9, $0xF7A;
	s5 =	simm.s32 @!p2 $0x0  }
0x1d: {  	s5 =	simm.s32 @p1 $0x1;
	p0 =	seq.s32 s7, s2  }
0x1e: {  	s7 =	smul.u32 @!p0 $0xF7A, s2;
	p2 =	seq.s32 @!p0 s5, $0x0  }
0x1f: {  	s9 =	smul.u32 $0xF7A, s1;
	s8 =	simm.s32 @!p0 $0x1BF5;
	p2 =	por !p2, p0  }
0x20: {  	[sflag:s8] =	ssyncset.s32 @!p0 $0xFFFFF086;
	s6 =	sadd.s32 @!p0 s3, s7;
	s7 =	simm.s32 @!p0 $0x108  }
0x21: {  	s3 =	sadd.s32 s3, s9;
	s6 =	sadd.s32 @!p0 $0x88, s6;
	s7 =	simm.s32 @p2 $0x1082  }
0x22: {  	[simem:s7], [sflag:s8] =	dma.local @!p0 [hbm:s6], $0xF7A  }
0x23: {  	s9 =	sor.u32 $0xD0000000, s2;
	s6 =	simm.s32 $0x108;
	_ =	swait.ge @!p0 [sflag:s8], $0x0  }
0x24: {  	s3 =	sadd.s32 $0x88, s3;
	s6 =	simm.s32 @!p1 $0x1082;
	[sflag:s4] =	ssyncset.s32 $0xFFFFF086  }
0x25: {  	[simem:s6], [sflag:s4] =	dma.local [hbm:s3], $0xF7A  }
0x26: {  	[smem:$0x3F9B] =	sst s1;
	(tag) =	ssettag s2;
	_ =	strace s9  }
0x27: {  	s1 =	sld [smem:$0x3FAB]  }
0x28: {  	s2 =	sld [smem:$0x3FAC]  }
0x29: {  	s4 =	sld [smem:$0x3FAE]  }
0x2a: {  	p0 =	seq.s32 s5, $0x0;
	s5 =	sld [smem:$0x3FAF]  }
0x2b: {  	s6 =	sld [smem:$0x3FB0]  }
0x2c: {  	s7 =	sld [smem:$0x3FB1]  }
0x2d: {  	s3 =	simm.s32 $0x108;
	s8 =	sld [smem:$0x3FB2]  }
0x2e: {  	s3 =	simm.s32 @!p0 $0x1082;
	s9 =	sld [smem:$0x3FB3]  }
0x2f: {  	lr =	sadd.s32 s0, s3;
	s0 =	sld [smem:$0x3FAA]  }
0x30: {  	s3 =	sld [smem:$0x3FAD]  }
0x31: {  	[smem:$0x3FB6] =	sst s10  }
0x32: {  	s10 =	sld [smem:$0x3FB4];
	_ =	sdelay $0x3  }
0x33: {  	p0 =	seq.s32 s10, $0x1;
	s10 =	sld [smem:$0x3FB6];
	_ =	sdelay $0x3  }
0x34: {  	[smem:$0x3FB6] =	sst s10  }
0x35: {  	s10 =	sld [smem:$0x3FB5];
	_ =	sdelay $0x3  }
0x36: {  	p1 =	seq.s32 s10, $0x1;
	s10 =	sld [smem:$0x3FB6];
	_ =	sdelay $0x3  }
0x37: {  	[smem:$0x3FB6] =	sst s10  }
0x38: {  	s10 =	sld [smem:$0x3FB7]  }
0x39: {  	_ = 	snop;
	(pc) =	sbr.ind lr, $3  }
0x3a: {  	_ = 	snop  }
0x3b: {  	_ = 	snop  }
0x3c: {  	p2 =	seq.s32 s10, $0x1;
	s10 =	sld [smem:$0x3FB6]  }
0x3d: {  	_ =	shalt  }
0x3e: {  	_ =	shalt  }
0x3f: {  	_ =	shalt  }
0x40: {  	_ =	shalt  }
0x41: {  	_ =	shalt  }
0x42: {  	_ =	shalt  }
0x43: {  	_ =	shalt  }
0x44: {  	_ =	shalt  }
0x45: {  	_ =	shalt  }
0x46: {  	_ =	shalt  }
0x47: {  	_ =	shalt  }
0x48: {  	_ =	shalt  }
0x49: {  	_ =	shalt  }
0x4a: {  	_ =	shalt  }
0x4b: {  	_ =	shalt  }
0x4c: {  	_ =	shalt  }
0x4d: {  	_ =	shalt  }
0x4e: {  	_ =	shalt  }
0x4f: {  	_ =	shalt  }
0x50: {  	_ =	shalt  }
0x51: {  	_ =	shalt  }
0x52: {  	_ =	shalt  }
0x53: {  	_ =	shalt  }
0x54: {  	_ =	shalt  }
0x55: {  	_ =	shalt  }
0x56: {  	_ =	shalt  }
0x57: {  	_ =	shalt  }
0x58: {  	_ =	shalt  }
0x59: {  	_ =	shalt  }
0x5a: {  	_ =	shalt  }
0x5b: {  	_ =	shalt  }
0x5c: {  	_ =	shalt  }
0x5d: {  	_ =	shalt  }
0x5e: {  	_ =	shalt  }
0x5f: {  	_ =	shalt  }
0x60: {  	_ =	shalt  }
0x61: {  	_ =	shalt  }
0x62: {  	_ =	shalt  }
0x63: {  	_ =	shalt  }
0x64: {  	_ =	shalt  }
0x65: {  	_ =	shalt  }
0x66: {  	_ =	shalt  }
0x67: {  	_ =	shalt  }
0x68: {  	_ =	shalt  }
0x69: {  	_ =	shalt  }
0x6a: {  	_ =	shalt  }
0x6b: {  	_ =	shalt  }
0x6c: {  	_ =	shalt  }
0x6d: {  	_ =	shalt  }
0x6e: {  	_ =	shalt  }
0x6f: {  	_ =	shalt  }
0x70: {  	_ =	shalt  }
0x71: {  	_ =	shalt  }
0x72: {  	_ =	shalt  }
0x73: {  	_ =	shalt  }
0x74: {  	_ =	shalt  }
0x75: {  	_ =	shalt  }
0x76: {  	_ =	shalt  }
0x77: {  	_ =	shalt  }
0x78: {  	_ =	shalt  }
0x79: {  	_ =	shalt  }
0x7a: {  	_ =	shalt  }
0x7b: {  	_ =	shalt  }
0x7c: {  	_ =	shalt  }
0x7d: {  	_ =	shalt  }
0x7e: {  	_ =	shalt  }
0x7f: {  	_ =	shalt  }
0x80: {  	_ =	shalt  }
0x81: {  	_ =	shalt  }
0x82: {  	_ =	shalt  }
0x83: {  	_ =	shalt  }
0x84: {  	_ =	shalt  }
0x85: {  	_ =	shalt  }
0x86: {  	_ =	shalt  }
0x87: {  	_ =	shalt  }
.Lfunc_end0:
.L_simem_size_0:
called_computation_lowered:
.L_overlay_start_0:
0x88: {  	s2 =	sld [smem:$0x3FD9]  }
0x89: {  	s3 =	sld [smem:$0x3FFE];
	_ =	sdelay $0x1  }
0x8a: {  	s1 =	srdreg.scid  }
0x8b: {  	s0 =	sand.u32 $0x1, s1  }
0x8c: {  	s18 =	sshll.u32 s0, $0xA;
	s2 =	sadd.s32 s3, s2  }
0x8d: {  	s2 =	sadd.s32 s2, s18  }
0x8e: {  	[smem:$0x3FC2] =	sst s2  }
0x8f: {  	_ = 	snop  }
0x90: {  	s2 =	sld [smem:$0x3FC9]  }
0x91: {  	s19 =	sld [smem:$0x3FC8]  }
0x92: {  	s4 =	sld [smem:$0x3FC7]  }
0x93: {  	s5 =	sld [smem:$0x3FC6]  }
0x94: {  	s6 =	sld [smem:$0x3FC5]  }
0x95: {  	s7 =	sld [smem:$0x3FC4]  }
0x96: {  	s8 =	sld [smem:$0x3FD0];
	(tm) =	ssettm $0x1  }
0x97: {  	s9 =	sld [smem:$0x3FFB];
	_ =	sdelay $0x3  }
0x98: {  	_ =	strace s9  }
0x99: {  	s9 =	sld [smem:$0x3FFC];
	_ =	sdelay $0x3  }
0x9a: {  	_ =	strace s9  }
0x9b: {  	s9 =	sld [smem:$0x3FFD];
	_ =	sdelay $0x3  }
0x9c: {  	_ =	strace s9  }
0x9d: {  	_ =	strace $0x8FFFFFFF  }
0x9e: {  	s20 =	sld [smem:$0x3FDB];
	_ =	sdelay $0x1  }
0x9f: {  	s10 =	simm.s32 $_scs_section_size  }
0xa0: {  	s11 =	simm.s32 $_size__tile_overlayer_lowered;
	s12 =	simm.s32 $_tile_overlayer_lowered  }
0xa1: {  	s23 =	simm.s32 $0x1BFF;
	s22 =	sshll.u32 s12, $0x1;
	s9 =	sadd.s32 s10, s20  }
0xa2: {  	s13 =	simm.s32 $0x0;
	s21 =	sshll.u32 s11, $0x1;
	s11 =	sadd.s32 s22, s9  }
0xa3: {  	[timem:s13], [sflag:s23] =	dma.local [hbm:s11], s21  }
0xa4: {  	_ =	swait.ge [sflag:s23], s21  }
0xa5: {  	s10 =	ssub.s32 $0x0, s21;
	[sflag:s23] =	ssyncset.done $0x0  }
0xa6: {  	[sflag:s23] =	ssyncadd.s32 s10;
	_ =	sdelay $0x1  }
0xa7: {  	s24 =	simm.s32 $0x1B8B  }
0xa8: {  	_ =	swait.ge [sflag:s24], $0x1  }
0xa9: {  	[sflag:s24] =	ssyncset.done $0x0  }
0xaa: {  	s25 =	simm.s32 $0x1B8E;
	[sflag:s24] =	ssyncadd.s32 $0xFFFFFFFF  }
0xab: {  	s26 =	simm.s32 $execute0_lowered;
	[smem:$0x3FD2] =	sst s25  }
0xac: {  	s10 =	sshll.u32 s26, $0x1;
	_ =	strace $0x80000046;
	[dreg:$0x1] =	wrdreg $0xFFFFFFFF  }
0xad: {  	s28 =	simm.s32 $_size_execute0_lowered;
	s9 =	sadd.s32 s9, s10;
	[dreg:$0x0] =	wrdreg $0x0  }
0xae: {  	s10 =	sshll.u32 s28, $0x1;
	[dreg:$0x2] =	wrdreg s9  }
0xaf: {  	[dreg:$0x3] =	wrdreg s10  }
0xb0: {  	[dreg:$0x4] =	wrdreg $0xC0  }
0xb1: {  	_ =	task [dreg:s13], $0x5FFFF  }
0xb2: {  	[dreg:$0x1] =	wrdreg $0xFFFFFFFF  }
0xb3: {  	[dreg:$0x0] =	wrdreg $0x60  }
0xb4: {  	[dreg:$0x2] =	wrdreg s2  }
0xb5: {  	[dreg:$0x3] =	wrdreg s19  }
0xb6: {  	[dreg:$0x4] =	wrdreg s4  }
0xb7: {  	[dreg:$0x5] =	wrdreg s5  }
0xb8: {  	[dreg:$0x6] =	wrdreg s6  }
0xb9: {  	[dreg:$0x7] =	wrdreg s7  }
0xba: {  	[dreg:$0x8] =	wrdreg s8  }
0xbb: {  	[dreg:$0x9] =	wrdreg $0x0  }
0xbc: {  	[dreg:$0xa] =	wrdreg $0x9  }
0xbd: {  	_ =	task.clear_ibuf [dreg:s13], $0xBFFFF;
	_ =	strace $0x90000046  }
0xbe: {  	s29 =	simm.s32 $0x9;
	_ =	strace $0x80000048  }
0xbf: {  	_ =	swait.ge [sflag:s29], $0x1  }
0xc0: {  	[sflag:s29] =	ssyncadd.s32 $0xFFFFFFFF  }
0xc1: {  	_ =	strace $0x90000048  }
0xc2: {  	_ =	sfence  }
0xc3: {  	s30 =	sld [smem:$0x0];
	_ =	sdelay $0x2  }
0xc4: {  	s31 =	sshll.u32 s1, $0xD;
	s1 =	sshrl.u32 s1, $0x2  }
0xc5: {  	s3 =	sand.u32 $0x4000, s31;
	s1 =	sadd.s32 s1, s30  }
0xc6: {  	s0 =	sor.u32 s3, s0;
	s1 =	sshll.u32 s1, $0x11  }
0xc7: {  	s0 =	sor.u32 s1, s0  }
0xc8: {  	s0 =	sadd.s32 $0x8F2B, s0  }
0xc9: {  	[sflag:s0] =	ssyncadd.remote.s32 $0x1  }
0xca: {  	_ =	sfence.sel $0xFFFF  }
0xcb: {  	[dreg:$0x0] =	wrdreg $0xFFFFFFFF;
	(pc) =	sbr.abs _section_cstart, $3  }
0xcc: {  	[dreg:$0x1] =	wrdreg $0xFFFFFFFF  }
0xcd: {  	_ =	task.clear_ibuf [dreg:s13], $0x2FFFF;
	_ =	strace $0x9FFFFFFF  }
0xce: {  	(tm) =	ssettm $0x7FFFFFFF  }
0xcf: {  	_ =	shalt  }
tec
execute0_lowered:
.L_overlay_start_1:
0x0: {  	(tag) =	ssettag $0x1  }
0x1: {  	s0 =	rddreg [dreg:$0x0]  }
0x2: {  	s1 =	rddreg [dreg:$0x2]  }
0x3: {  	s2 =	rddreg [dreg:$0x4]  }
0x4: {  	s3 =	rddreg [dreg:$0x5]  }
0x5: {  	s22 =	rddreg [dreg:$0x6]  }
0x6: {  	s6 =	rddreg [dreg:$0x7]  }
0x7: {  	s13 =	stileid.u32;
	s4 =	srdreg.scid  }
0x8: {  	s24 =	simm.s32 $0x0;
	s31 =	simm.s32 $0x5FC0;
	s28 =	simm.s32 $0x9FC0  }
0x9: {  	s30 =	simm.s32 $0xDFC0;
	s5 =	simm.s32 $0x4;
	s17 =	simm.s32 $0x5  }
0xa: {  	s18 =	simm.s32 $0x6;
	s29 =	simm.s32 $0x9;
	s7 =	smul.u32 $0x34, s13  }
0xb: {  	s4 =	sand.u32 $0x1, s4;
	s8 =	sshll.u32 s13, $0x1;
	s9 =	smul.u32 $0x28, s13  }
0xc: {  	[smem:$0x7FF] =	sst s24;
	s19 =	smul.u32 $0x5000, s13;
	p0 =	seq.s32 s13, $0xF  }
0xd: {  	s13 =	simm.s32 $0x10;
	s8 =	sor.u32 s4, s8;
	s4 =	ssub.s32 $0x2, s4  }
0xe: {  	_ =	strace $0x80000047;
	s10 =	sshrl.u32 s7, $0x8;
	s8 =	smul.u32 $0x1900, s8  }
0xf: {  	s12 =	sshrl.u32 s4, $0x1;
	s20 =	sshrl.u32 s19, $0x2;
	s7 =	simm.s32 $0x80  }
0x10: {  	s19 =	simm.s32 $0x11FC0;
	s11 =	smul.u32 $0xFFFFFF38, s10;
	s4 =	ssub.s32 s4, s12  }
0x11: {  	s10 =	sshll.u32 s10, $0x7;
	s21 =	sshrl.u32 s8, $0x3;
	s26 =	smax.u32 s4, $0x1  }
0x12: {  	s9 =	sadd.s32 s9, s11;
	s23 =	sadd.s32 s2, s21;
	s25 =	sadd.s32 s3, s21  }
0x13: {  	[dreg:$0xd] =	wrdreg s26;
	s26 =	simm.s32 $0x15FC0;
	s3 =	simm.s32 $0x1  }
0x14: {  	s2 =	simm.s32 $0x3;
	s9 =	sshll.u32 s9, $0x4;
	[dreg:$0xb] =	wrdreg s23  }
0x15: {  	s21 =	simm.s32 $0x7;
	[dreg:$0xc] =	wrdreg s25;
	s1 =	sadd.s32 s1, s9  }
0x16: {  	s25 =	simm.s32 $0x8;
	[dreg:$0x9] =	wrdreg s1;
	s1 =	sadd.s32 s20, s6  }
0x17: {  	s9 =	simm.s32 $0x0;
	[dreg:$0xa] =	wrdreg s1;
	s1 =	simm.s32 $0x2  }
.LBB2_1:
.Ltmp0:
0x18: {  	(pc) =	sbr.rel @p0 .LBB2_5-.Ltmp0, $2  }
0x19: {  	_ =	sdelay $0x2  }
0x1a: {  	[dreg:$0xe] =	wrdreg s9  }
0x1b: {  	s9 =	simm.s32 $0x0;
	s4 =	rddreg [dreg:$0x9]  }
0x1c: {  	[tilespmem:s31], [sflag:$0x10] =	stream.linear.gather [hbm4b:s4+s9], $0x1400, $0x38;
	[tilespmem:$0x19FC0] =	vst v63  }
0x1d: {  	_ =	swait.ge [sflag:s13], $0x1400  }
0x1e: {  	[sflag:s13] =	ssyncset.done $0x0  }
0x1f: {  	[sflag:s13] =	ssyncadd.s32 $0xFFFFEC00  }
0x20: {  	s11 =	simm.s32 $0x5DC0;
	s23 =	rddreg [dreg:$0x1]  }
0x21: {  	[tilespmem:s11], [sflag:$0x10] =	stream.linear.gather [hbm4b:s23+s9], $0x180, $0x38;
	[tilespmem:$0x19FC0] =	vst v63  }
0x22: {  	_ =	swait.ge [sflag:s13], $0x180  }
0x23: {  	[sflag:s13] =	ssyncset.done $0x0  }
0x24: {  	s9 =	simm.s32 $0x0;
	[sflag:s13] =	ssyncadd.s32 $0xFFFFFE80  }
0x25: {  	s11 =	simm.s32 $0x200;
	v0 =	vld [tilespmem:s9+$0x5FC0]  }
.LBB2_3:
0x26: {  	p1 =	sne.s32 s11, $0x4E00;
	v1 =	vld [tilespmem:s10+$0x5DC0];
	_ =	sdelay $0x4  }
0x27: {  	v0 =	vadd.f32 v1, v0;
	_ =	sdelay $0x1  }
0x28: {  	[tilespmem:s9+$0x5FC0] =	vst v0;
	v0 =	vld [tilespmem:s9+$0x5FD0]  }
0x29: {  	v1 =	vld [tilespmem:s10+$0x5DD0];
	_ =	sdelay $0x4  }
0x2a: {  	v0 =	vadd.f32 v1, v0;
	_ =	sdelay $0x1  }
0x2b: {  	[tilespmem:s9+$0x5FD0] =	vst v0;
	v0 =	vld [tilespmem:s9+$0x5FE0]  }
0x2c: {  	v1 =	vld [tilespmem:s10+$0x5DE0];
	_ =	sdelay $0x4  }
0x2d: {  	v0 =	vadd.f32 v1, v0;
	_ =	sdelay $0x1  }
0x2e: {  	[tilespmem:s9+$0x5FE0] =	vst v0;
	v0 =	vld [tilespmem:s9+$0x5FF0]  }
0x2f: {  	v1 =	vld [tilespmem:s10+$0x5DF0];
	_ =	sdelay $0x4  }
0x30: {  	v0 =	vadd.f32 v1, v0;
	_ =	sdelay $0x1  }
0x31: {  	[tilespmem:s9+$0x5FF0] =	vst v0;
	v0 =	vld [tilespmem:s9+$0x6000]  }
0x32: {  	v1 =	vld [tilespmem:s10+$0x5E00];
	_ =	sdelay $0x4  }
0x33: {  	v0 =	vadd.f32 v1, v0;
	_ =	sdelay $0x1  }
0x34: {  	[tilespmem:s9+$0x6000] =	vst v0;
	v0 =	vld [tilespmem:s9+$0x6010]  }
0x35: {  	v1 =	vld [tilespmem:s10+$0x5E10];
	_ =	sdelay $0x4  }
0x36: {  	v0 =	vadd.f32 v1, v0;
	_ =	sdelay $0x1  }
0x37: {  	[tilespmem:s9+$0x6010] =	vst v0;
	v0 =	vld [tilespmem:s9+$0x6020]  }
0x38: {  	v1 =	vld [tilespmem:s10+$0x5E20];
	_ =	sdelay $0x4  }
0x39: {  	v0 =	vadd.f32 v1, v0;
	_ =	sdelay $0x1  }
0x3a: {  	[tilespmem:s9+$0x6020] =	vst v0;
	v0 =	vld [tilespmem:s9+$0x6030]  }
0x3b: {  	v1 =	vld [tilespmem:s10+$0x5E30];
	_ =	sdelay $0x2  }
.Ltmp1:
0x3c: {  	(pc) =	sbr.rel @p1 .LBB2_3-.Ltmp1, $4  }
0x3d: {  	_ = 	snop  }
0x3e: {  	v1 =	vadd.f32 v1, v0  }
0x3f: {  	s12 =	sshra.s32 s11, $0x2  }
0x40: {  	s11 =	sadd.s32 $0x200, s11;
	v0 =	vld [tilespmem:s12+$0x5FC0];
	[tilespmem:s9+$0x6030] =	vst v1;
	s9 =	smov.u32 s12  }
0x41: {  	v1 =	vld [tilespmem:s10+$0x5DC0];
	_ =	sdelay $0x4  }
0x42: {  	v0 =	vadd.f32 v1, v0;
	_ =	sdelay $0x1  }
0x43: {  	v50 =	vld [tilespmem:s9+$0x5FD0];
	[tilespmem:s9+$0x5FC0] =	vst v0  }
0x44: {  	v51 =	vld [tilespmem:s10+$0x5DD0];
	_ =	sdelay $0x4  }
0x45: {  	v0 =	vadd.f32 v51, v50;
	_ =	sdelay $0x1  }
0x46: {  	v52 =	vld [tilespmem:s9+$0x5FE0];
	[tilespmem:s9+$0x5FD0] =	vst v0  }
0x47: {  	v53 =	vld [tilespmem:s10+$0x5DE0];
	_ =	sdelay $0x4  }
0x48: {  	v0 =	vadd.f32 v53, v52;
	_ =	sdelay $0x1  }
0x49: {  	v54 =	vld [tilespmem:s9+$0x5FF0];
	[tilespmem:s9+$0x5FE0] =	vst v0  }
0x4a: {  	v55 =	vld [tilespmem:s10+$0x5DF0];
	_ =	sdelay $0x4  }
0x4b: {  	v0 =	vadd.f32 v55, v54;
	_ =	sdelay $0x1  }
0x4c: {  	v56 =	vld [tilespmem:s9+$0x6000];
	[tilespmem:s9+$0x5FF0] =	vst v0  }
0x4d: {  	v57 =	vld [tilespmem:s10+$0x5E00];
	_ =	sdelay $0x4  }
0x4e: {  	v0 =	vadd.f32 v57, v56;
	_ =	sdelay $0x1  }
0x4f: {  	v58 =	vld [tilespmem:s9+$0x6010];
	[tilespmem:s9+$0x6000] =	vst v0  }
0x50: {  	v59 =	vld [tilespmem:s10+$0x5E10];
	_ =	sdelay $0x4  }
0x51: {  	v0 =	vadd.f32 v59, v58;
	_ =	sdelay $0x1  }
0x52: {  	v60 =	vld [tilespmem:s9+$0x6020];
	[tilespmem:s9+$0x6010] =	vst v0  }
0x53: {  	v61 =	vld [tilespmem:s10+$0x5E20];
	_ =	sdelay $0x4  }
0x54: {  	v0 =	vadd.f32 v61, v60;
	_ =	sdelay $0x1  }
0x55: {  	v62 =	vld [tilespmem:s9+$0x6030];
	[tilespmem:s9+$0x6020] =	vst v0  }
0x56: {  	v63 =	vld [tilespmem:s10+$0x5E30];
	_ =	sdelay $0x4  }
0x57: {  	v0 =	vadd.f32 v63, v62;
	_ =	sdelay $0x1  }
0x58: {  	s4 =	rddreg [dreg:$0xa];
	[tilespmem:s9+$0x6030] =	vst v0  }
0x59: {  	[spmem:s4] =	stream.linear.scatter [tilespmem:s31], [sflag:$0x10], $0x1400, $0x38;
	[tilespmem:$0x19FC0] =	vst v63  }
0x5a: {  	_ =	swait.ge [sflag:s13], $0x1400  }
0x5b: {  	[sflag:s13] =	ssyncset.done $0x0  }
0x5c: {  	[sflag:s13] =	ssyncadd.s32 $0xFFFFEC00  }
.LBB2_5:
0x5d: {  	s9 =	simm.s32 $0x0;
	s4 =	rddreg [dreg:$0xb];
	s11 =	simm.s32 $0x12C0  }
0x5e: {  	[tilespmem:s11], [sflag:$0x10] =	stream.linear.gather [hbm4b:s4+s9], $0x1900, $0x38;
	[tilespmem:$0x19FC0] =	vst v63  }
0x5f: {  	_ =	swait.ge [sflag:s13], $0x1900  }
0x60: {  	[sflag:s13] =	ssyncset.done $0x0  }
0x61: {  	s16 =	simm.s32 $0x2BC0;
	s15 =	rddreg [dreg:$0xc];
	[sflag:s13] =	ssyncadd.s32 $0xFFFFE700  }
0x62: {  	[tilespmem:s16], [sflag:$0x10] =	stream.linear.gather [hbm4b:s15+s9], $0x1900, $0x38;
	[tilespmem:$0x19FC0] =	vst v63  }
0x63: {  	_ =	swait.ge [sflag:s13], $0x1900  }
0x64: {  	[sflag:s13] =	ssyncset.done $0x0  }
0x65: {  	[sflag:s13] =	ssyncadd.s32 $0xFFFFE700  }
0x66: {  	s23 =	simm.s32 $0x44C0;
	s20 =	rddreg [dreg:$0x3]  }
0x67: {  	[tilespmem:s23], [sflag:$0x10] =	stream.linear.gather [hbm4b:s20+s9], $0x1900, $0x38;
	[tilespmem:$0x19FC0] =	vst v63  }
0x68: {  	_ =	swait.ge [sflag:s13], $0x1900  }
0x69: {  	[sflag:s13] =	ssyncset.done $0x0  }
0x6a: {  	s11 =	simm.s32 $0x40;
	s9 =	simm.s32 $0x0;
	[sflag:s13] =	ssyncadd.s32 $0xFFFFE700  }
.LBB2_6:
0x6b: {  	p1 =	sne.s32 s11, $0x63C0;
	v0 =	vld [tilespmem:s9+$0x2BC0];
	_ =	sdelay $0x1  }
0x6c: {  	v1 =	vld [tilespmem:s9+$0x44C0];
	_ =	sdelay $0x1  }
.Ltmp2:
0x6d: {  	(pc) =	sbr.rel @p1 .LBB2_6-.Ltmp2, $3  }
0x6e: {  	v0 =	vmul.u32 $0xC8, v0;
	_ =	sdelay $0x1  }
0x6f: {  	v0 =	vadd.s32 v1, v0  }
0x70: {  	[tilespmem:s9+$0x2BC0] =	vst v0;
	s9 =	sshra.s32 s11, $0x2;
	s11 =	sadd.s32 $0x40, s11  }
0x71: {  	v0 =	vld [tilespmem:s9+$0x2BC0];
	_ =	sdelay $0x1  }
0x72: {  	v1 =	vld [tilespmem:s9+$0x44C0];
	_ =	sdelay $0x2  }
0x73: {  	v0 =	vmul.u32 $0xC8, v0;
	_ =	sdelay $0x1  }
0x74: {  	p1 =	por $0x0, $0x0;
	v0 =	vadd.s32 v1, v0  }
0x75: {  	p2 =	por p1, p1;
	[tilespmem:s9+$0x2BC0] =	vst v0  }
0x76: {  	s9 =	simm.s32 @p2 $0xB;
	[bflag:$0x0] =	sbarrier.arrive $0xFFFF  }
0x77: {  	_ =	swait.ge @p2 [sflag:s9], $0x4000  }
0x78: {  	s11 =	simm.s32 @p2 $0x80;
	s12 =	simm.s32 @p2 $0xC;
	[sflag:s9] =	ssyncset.done @p2 $0x0  }
0x79: {  	s13 =	simm.s32 @p2 $0x5FC0;
	[sflag:s9] =	ssyncadd.s32 @p2 $0xFFFFC000;
	s9 =	simm.s32 @p2 $0x2BC0  }
0x7a: {  	[tilespmem:s13], [sflag:$0x1] =	stream.indirect.gather @p2 [spmem:s6], $0x80, s9, s11, $0xb8;
	[tilespmem:$0x19FC0] =	vst v63  }
0x7b: {  	_ =	swait.ge @p2 [sflag:s12], $0x4000  }
0x7c: {  	s9 =	simm.s32 @p2 $0xD;
	[sflag:s12] =	ssyncset.done @p2 $0x0  }
0x7d: {  	s13 =	simm.s32 @p2 $0x9FC0;
	[sflag:s12] =	ssyncadd.s32 @p2 $0xFFFFC000;
	s12 =	simm.s32 @p2 $0x2C40  }
0x7e: {  	[tilespmem:s13], [sflag:$0x2] =	stream.indirect.gather @p2 [spmem:s6], $0x80, s12, s11, $0xb8;
	[tilespmem:$0x19FC0] =	vst v63  }
0x7f: {  	_ =	swait.ge @p2 [sflag:s9], $0x4000  }
0x80: {  	s12 =	simm.s32 @p2 $0xE;
	[sflag:s9] =	ssyncset.done @p2 $0x0  }
0x81: {  	s13 =	simm.s32 @p2 $0xDFC0;
	[sflag:s9] =	ssyncadd.s32 @p2 $0xFFFFC000;
	s9 =	simm.s32 @p2 $0x2CC0  }
0x82: {  	[tilespmem:s13], [sflag:$0x3] =	stream.indirect.gather @p2 [spmem:s6], $0x80, s9, s11, $0xb8;
	[tilespmem:$0x19FC0] =	vst v63  }
0x83: {  	_ =	swait.ge @p2 [sflag:s12], $0x4000  }
0x84: {  	s9 =	simm.s32 $0x2D40;
	[sflag:s12] =	ssyncset.done @p2 $0x0  }
0x85: {  	s13 =	simm.s32 @p2 $0xF;
	[sflag:s12] =	ssyncadd.s32 @p2 $0xFFFFC000;
	s12 =	simm.s32 @p2 $0x11FC0  }
0x86: {  	[tilespmem:s12], [sflag:$0x4] =	stream.indirect.gather @p2 [spmem:s6], $0x80, s9, s11, $0xb8;
	[tilespmem:$0x19FC0] =	vst v63  }
0x87: {  	_ =	swait.ge @p2 [sflag:s13], $0x4000  }
0x88: {  	s9 =	simm.s32 @!p2 $0x5FC0;
	[sflag:s13] =	ssyncset.done @p2 $0x0  }
0x89: {  	s11 =	simm.s32 @!p2 $0x80;
	s12 =	simm.s32 @!p2 $0x2BC0;
	[sflag:s13] =	ssyncadd.s32 @p2 $0xFFFFC000  }
0x8a: {  	[tilespmem:s9], [sflag:$0x1] =	stream.indirect.gather @!p2 [spmem:s6], $0x80, s12, s11, $0xb8;
	[tilespmem:$0x19FC0] =	vst v63  }
0x8b: {  	s9 =	simm.s32 @!p2 $0x2C40;
	s12 =	simm.s32 @!p2 $0x9FC0  }
0x8c: {  	[tilespmem:s12], [sflag:$0x2] =	stream.indirect.gather @!p2 [spmem:s6], $0x80, s9, s11, $0xb8;
	[tilespmem:$0x19FC0] =	vst v63  }
0x8d: {  	s13 =	simm.s32 @!p2 $0xDFC0;
	s9 =	simm.s32 @p1 $0x0;
	s12 =	simm.s32 @!p2 $0x2CC0  }
0x8e: {  	[tilespmem:s13], [sflag:$0x3] =	stream.indirect.gather @!p2 [spmem:s6], $0x80, s12, s11, $0xb8;
	[tilespmem:$0x19FC0] =	vst v63  }
0x8f: {  	s9 =	simm.s32 @!p1 $0x0;
	s12 =	simm.s32 @!p2 $0x2D40;
	s13 =	simm.s32 @!p2 $0x11FC0  }
0x90: {  	[tilespmem:s13], [sflag:$0x4] =	stream.indirect.gather @!p2 [spmem:s6], $0x80, s12, s11, $0xb8;
	[tilespmem:$0x19FC0] =	vst v63  }
0x91: {  	s20 =	sadd.s32 $0x2DC0, s9  }
0x92: {  	[tilespmem:s26], [sflag:$0x5] =	stream.indirect.gather [spmem:s6], $0x80, s20, s7, $0xb8;
	[tilespmem:$0x19FC0] =	vst v63  }
0x93: {  	_ =	swait.ge [sflag:s3], $0x4000  }
0x94: {  	[sflag:s3] =	ssyncset.done $0x0  }
0x95: {  	s23 =	sadd.s32 $0x12C0, s9;
	[sflag:s3] =	ssyncadd.s32 $0xFFFFC000  }
0x96: {  	[tilespmem:s31], [sflag:$0x6] =	stream.indirect.gather.add.f32 [hbm:s0], $0x80, s23, s7, $0xb8;
	[tilespmem:$0x19FC0] =	vst v63  }
0x97: {  	s11 =	simm.s32 @p1 $0x80;
	_ =	swait.ge [sflag:s1], $0x4000  }
0x98: {  	s14 =	simm.s32 $0x180;
	s11 =	simm.s32 @!p1 $0x80;
	[sflag:s1] =	ssyncset.done $0x0  }
0x99: {  	s14 =	simm.s32 @!p1 $0x180;
	[sflag:s1] =	ssyncadd.s32 $0xFFFFC000;
	s1 =	sadd.s32 $0x12C0, s11  }
0x9a: {  	[tilespmem:s28], [sflag:$0x7] =	stream.indirect.gather.add.f32 [hbm:s0], $0x80, s1, s7, $0xb8;
	[tilespmem:$0x19FC0] =	vst v63  }
0x9b: {  	s16 =	sadd.s32 $0x12C0, s14;
	s12 =	simm.s32 @p1 $0x100;
	_ =	swait.ge [sflag:s2], $0x4000  }
0x9c: {  	s4 =	sadd.s32 s8, s14;
	s12 =	simm.s32 @!p1 $0x100;
	[sflag:s2] =	ssyncset.done $0x0  }
0x9d: {  	s15 =	sadd.s32 s8, s9;
	[sflag:s2] =	ssyncadd.s32 $0xFFFFC000;
	s2 =	sadd.s32 $0x12C0, s12  }
0x9e: {  	[tilespmem:s30], [sflag:$0x8] =	stream.indirect.gather.add.f32 [hbm:s0], $0x80, s2, s7, $0xb8;
	[tilespmem:$0x19FC0] =	vst v63  }
0x9f: {  	s9 =	sadd.s32 $0x14C0, s9;
	s15 =	sshll.u32 s15, $0x4;
	_ =	swait.ge [sflag:s5], $0x4000  }
0xa0: {  	s13 =	simm.s32 $0x400;
	p1 =	por $0x1, $0x1;
	[sflag:s5] =	ssyncset.done $0x0  }
0xa1: {  	s20 =	sshll.u32 s4, $0x4;
	s14 =	simm.s32 @p1 $0x280;
	[sflag:s5] =	ssyncadd.s32 $0xFFFFC000  }
0xa2: {  	[tilespmem:s19], [sflag:$0x9] =	stream.indirect.gather.add.f32 [hbm:s0], $0x80, s16, s7, $0xb8;
	[tilespmem:$0x19FC0] =	vst v63  }
0xa3: {  	s13 =	simm.s32 @!p1 $0x180;
	s14 =	simm.s32 @!p1 $0x0;
	_ =	swait.ge [sflag:s17], $0x4000  }
0xa4: {  	s20 =	sadd.s32 s22, s20;
	s11 =	sadd.s32 s8, s11;
	[sflag:s17] =	ssyncset.done $0x0  }
0xa5: {  	s23 =	sadd.s32 s22, s15;
	s3 =	sshll.u32 s11, $0x4;
	[sflag:s17] =	ssyncadd.s32 $0xFFFFC000  }
0xa6: {  	[tilespmem:s26], [sflag:$0xA] =	stream.indirect.gather.add.f32 [hbm:s0], $0x80, s9, s7, $0xb8;
	[tilespmem:$0x19FC0] =	vst v63  }
0xa7: {  	s11 =	simm.s32 @p1 $0x380;
	s1 =	simm.s32 $0x8;
	_ =	swait.ge [sflag:s18], $0x4000  }
0xa8: {  	s11 =	simm.s32 @!p1 $0x100;
	s12 =	sadd.s32 s8, s12;
	[sflag:s18] =	ssyncset.done $0x0  }
0xa9: {  	s2 =	simm.s32 $0x9;
	s5 =	sshll.u32 s12, $0x4;
	[sflag:s18] =	ssyncadd.s32 $0xFFFFC000  }
0xaa: {  	[hbm4b:s23+s24] =	stream.linear.scatter [tilespmem:s31], [sflag:$0xB], $0x4000, $0x38;
	[tilespmem:$0x19FC0] =	vst v63  }
0xab: {  	s12 =	simm.s32 $0x680;
	s16 =	sadd.s32 s22, s3;
	_ =	swait.ge [sflag:s21], $0x4000  }
0xac: {  	s17 =	sadd.s32 s22, s5;
	s5 =	simm.s32 $0x80;
	[sflag:s21] =	ssyncset.done $0x0  }
0xad: {  	s7 =	smov.u32 s0;
	s9 =	simm.s32 @p1 $0x300;
	[sflag:s21] =	ssyncadd.s32 $0xFFFFC000  }
0xae: {  	[hbm4b:s16+s24] =	stream.linear.scatter [tilespmem:s28], [sflag:$0xC], $0x4000, $0x38;
	[tilespmem:$0x19FC0] =	vst v63  }
0xaf: {  	s0 =	smov.u32 s22;
	s22 =	simm.s32 $0x2FC0;
	_ =	swait.ge [sflag:s25], $0x4000  }
0xb0: {  	s9 =	simm.s32 @!p1 $0x80;
	s18 =	sadd.s32 s8, s14;
	[sflag:s25] =	ssyncset.done $0x0  }
0xb1: {  	p1 =	por p1, p1;
	s15 =	sshll.u32 s18, $0x4;
	[sflag:s25] =	ssyncadd.s32 $0xFFFFC000  }
0xb2: {  	[hbm4b:s17+s24] =	stream.linear.scatter [tilespmem:s30], [sflag:$0xD], $0x4000, $0x38;
	[tilespmem:$0x19FC0] =	vst v63  }
0xb3: {  	s31 =	simm.s32 $0xA;
	s23 =	sadd.s32 $0x2000, s23;
	_ =	swait.ge [sflag:s29], $0x4000  }
0xb4: {  	s21 =	sadd.s32 s8, s9;
	s28 =	sadd.s32 s8, s11;
	[sflag:s29] =	ssyncset.done $0x0  }
0xb5: {  	s18 =	sshll.u32 s21, $0x4;
	s21 =	simm.s32 @p1 $0xD;
	[sflag:s29] =	ssyncadd.s32 $0xFFFFC000  }
0xb6: {  	[hbm4b:s20+s24] =	stream.linear.scatter [tilespmem:s19], [sflag:$0xE], $0x4000, $0x38;
	[tilespmem:$0x19FC0] =	vst v63  }
0xb7: {  	s25 =	simm.s32 @p1 $0x80;
	s30 =	sadd.s32 s8, s13;
	_ =	swait.ge [sflag:s31], $0x4000  }
0xb8: {  	s17 =	sshll.u32 s28, $0x4;
	s16 =	sshll.u32 s30, $0x4;
	[sflag:s31] =	ssyncset.done $0x0  }
0xb9: {  	s29 =	simm.s32 @p1 $0x5FC0;
	s20 =	simm.s32 @p1 $0xC;
	[sflag:s31] =	ssyncadd.s32 $0xFFFFC000  }
.LBB2_8:
0xba: {  	[hbm4b:s23+s24] =	stream.linear.scatter [tilespmem:s26], [sflag:$0xF], $0x4000, $0x38;
	[tilespmem:$0x19FC0] =	vst v63  }
0xbb: {  	s30 =	smov.u32 s12;
	s19 =	simm.s32 $0x0  }
0xbc: {  	s24 =	smov.u32 s16;
	s12 =	sadd.s32 $0x280, s12;
	s16 =	simm.s32 @p1 $0xB  }
0xbd: {  	s3 =	simm.s32 $0x15FC0;
	p3 =	sne.s32 s30, $0x180;
	s23 =	smov.u32 s30  }
0xbe: {  	s26 =	sadd.s32 @p3 $0xFFFFFE80, s30;
	s28 =	sadd.s32 @p3 $0xFFFFFF00, s30;
	_ =	swait.ge @p1 [sflag:s16], $0x4000  }
0xbf: {  	s23 =	simm.s32 @!p3 $0x180;
	s26 =	simm.s32 @!p3 $0x0;
	[sflag:s16] =	ssyncset.done @p1 $0x0  }
0xc0: {  	s28 =	simm.s32 @!p3 $0x80;
	[sflag:s16] =	ssyncadd.s32 @p1 $0xFFFFC000;
	s16 =	sadd.s32 @p1 $0xFFFFFE80, s22  }
0xc1: {  	[tilespmem:s29], [sflag:$0x1] =	stream.indirect.gather @p1 [spmem:s6], $0x80, s16, s25, $0xb8;
	[tilespmem:$0x19FC0] =	vst v63  }
0xc2: {  	s30 =	sadd.s32 @p3 $0xFFFFFF80, s30;
	s16 =	sadd.s32 s8, s26;
	_ =	swait.ge @p1 [sflag:s20], $0x4000  }
0xc3: {  	s30 =	simm.s32 @!p3 $0x100;
	s29 =	sshll.u32 s16, $0x4;
	[sflag:s20] =	ssyncset.done @p1 $0x0  }
0xc4: {  	s16 =	sadd.s32 @p1 $0xFFFFFF00, s22;
	[sflag:s20] =	ssyncadd.s32 @p1 $0xFFFFC000;
	s20 =	simm.s32 @p1 $0x9FC0  }
0xc5: {  	[tilespmem:s20], [sflag:$0x2] =	stream.indirect.gather @p1 [spmem:s6], $0x80, s16, s25, $0xb8;
	[tilespmem:$0x19FC0] =	vst v63  }
0xc6: {  	s31 =	sadd.s32 s8, s30;
	s16 =	sadd.s32 s8, s28;
	_ =	swait.ge @p1 [sflag:s21], $0x4000  }
0xc7: {  	s4 =	simm.s32 @p1 $0xE;
	s20 =	sshll.u32 s16, $0x4;
	[sflag:s21] =	ssyncset.done @p1 $0x0  }
0xc8: {  	s16 =	sadd.s32 @p1 $0xFFFFFF80, s22;
	[sflag:s21] =	ssyncadd.s32 @p1 $0xFFFFC000;
	s21 =	simm.s32 @p1 $0xDFC0  }
0xc9: {  	[tilespmem:s21], [sflag:$0x3] =	stream.indirect.gather @p1 [spmem:s6], $0x80, s16, s25, $0xb8;
	[tilespmem:$0x19FC0] =	vst v63  }
0xca: {  	s21 =	sshll.u32 s31, $0x4;
	s16 =	sadd.s32 s8, s23;
	_ =	swait.ge @p1 [sflag:s4], $0x4000  }
0xcb: {  	p2 =	sne.s32 s12, $0x1A80;
	s16 =	sshll.u32 s16, $0x4;
	[sflag:s4] =	ssyncset.done @p1 $0x0  }
0xcc: {  	s31 =	simm.s32 @p1 $0xF;
	[sflag:s4] =	ssyncadd.s32 @p1 $0xFFFFC000;
	s4 =	simm.s32 @p1 $0x11FC0  }
0xcd: {  	[tilespmem:s4], [sflag:$0x4] =	stream.indirect.gather @p1 [spmem:s6], $0x80, s22, s25, $0xb8;
	[tilespmem:$0x19FC0] =	vst v63  }
0xce: {  	_ =	swait.ge @p1 [sflag:s31], $0x4000  }
0xcf: {  	s4 =	simm.s32 @!p1 $0x5FC0;
	[sflag:s31] =	ssyncset.done @p1 $0x0  }
0xd0: {  	s25 =	simm.s32 @!p1 $0x80;
	[sflag:s31] =	ssyncadd.s32 @p1 $0xFFFFC000;
	s31 =	simm.s32 @!p1 $0x2BC0  }
0xd1: {  	[tilespmem:s4], [sflag:$0x1] =	stream.indirect.gather @!p1 [spmem:s6], $0x80, s31, s25, $0xb8;
	[tilespmem:$0x19FC0] =	vst v63  }
0xd2: {  	s4 =	simm.s32 @!p1 $0x2C40;
	s31 =	simm.s32 @!p1 $0x9FC0  }
0xd3: {  	[tilespmem:s31], [sflag:$0x2] =	stream.indirect.gather @!p1 [spmem:s6], $0x80, s4, s25, $0xb8;
	[tilespmem:$0x19FC0] =	vst v63  }
0xd4: {  	s4 =	simm.s32 @!p1 $0x2CC0;
	s31 =	simm.s32 @!p1 $0xDFC0  }
0xd5: {  	[tilespmem:s31], [sflag:$0x3] =	stream.indirect.gather @!p1 [spmem:s6], $0x80, s4, s25, $0xb8;
	[tilespmem:$0x19FC0] =	vst v63  }
0xd6: {  	s4 =	simm.s32 @!p1 $0x2D40;
	s31 =	simm.s32 @!p1 $0x11FC0  }
0xd7: {  	[tilespmem:s31], [sflag:$0x4] =	stream.indirect.gather @!p1 [spmem:s6], $0x80, s4, s25, $0xb8;
	[tilespmem:$0x19FC0] =	vst v63  }
0xd8: {  	s31 =	simm.s32 $0x5FC0  }
0xd9: {  	s4 =	sadd.s32 $0x2DC0, s14;
	p1 =	por p3, p3  }
0xda: {  	[tilespmem:s3], [sflag:$0x5] =	stream.indirect.gather [spmem:s6], $0x80, s4, s5, $0xb8;
	[tilespmem:$0x19FC0] =	vst v63  }
0xdb: {  	s3 =	simm.s32 $0x1  }
0xdc: {  	_ =	swait.ge [sflag:s3], $0x4000  }
0xdd: {  	[sflag:s3] =	ssyncset.done $0x0  }
0xde: {  	s4 =	sadd.s32 $0x12C0, s14;
	[sflag:s3] =	ssyncadd.s32 $0xFFFFC000  }
0xdf: {  	[tilespmem:s31], [sflag:$0x6] =	stream.indirect.gather.add.f32 [hbm:s7], $0x80, s4, s5, $0xb8;
	[tilespmem:$0x19FC0] =	vst v63  }
0xe0: {  	s4 =	simm.s32 $0x2  }
0xe1: {  	_ =	swait.ge [sflag:s4], $0x4000  }
0xe2: {  	[sflag:s4] =	ssyncset.done $0x0  }
0xe3: {  	[sflag:s4] =	ssyncadd.s32 $0xFFFFC000  }
0xe4: {  	s4 =	sadd.s32 $0x12C0, s9;
	s9 =	smov.u32 s28;
	s28 =	simm.s32 $0x9FC0  }
0xe5: {  	[tilespmem:s28], [sflag:$0x7] =	stream.indirect.gather.add.f32 [hbm:s7], $0x80, s4, s5, $0xb8;
	[tilespmem:$0x19FC0] =	vst v63  }
0xe6: {  	s4 =	simm.s32 $0x3  }
0xe7: {  	_ =	swait.ge [sflag:s4], $0x4000  }
0xe8: {  	[sflag:s4] =	ssyncset.done $0x0  }
0xe9: {  	[sflag:s4] =	ssyncadd.s32 $0xFFFFC000  }
0xea: {  	s4 =	sadd.s32 $0x12C0, s11;
	s11 =	smov.u32 s30;
	s30 =	simm.s32 $0xDFC0  }
0xeb: {  	[tilespmem:s30], [sflag:$0x8] =	stream.indirect.gather.add.f32 [hbm:s7], $0x80, s4, s5, $0xb8;
	[tilespmem:$0x19FC0] =	vst v63  }
0xec: {  	s4 =	simm.s32 $0x4  }
0xed: {  	_ =	swait.ge [sflag:s4], $0x4000  }
0xee: {  	s25 =	simm.s32 $0x11FC0;
	[sflag:s4] =	ssyncset.done $0x0  }
0xef: {  	[sflag:s4] =	ssyncadd.s32 $0xFFFFC000;
	s4 =	sadd.s32 $0x12C0, s13;
	s13 =	smov.u32 s23  }
0xf0: {  	[tilespmem:s25], [sflag:$0x9] =	stream.indirect.gather.add.f32 [hbm:s7], $0x80, s4, s5, $0xb8;
	[tilespmem:$0x19FC0] =	vst v63  }
0xf1: {  	s4 =	simm.s32 $0x5  }
0xf2: {  	_ =	swait.ge [sflag:s4], $0x4000  }
0xf3: {  	[sflag:s4] =	ssyncset.done $0x0  }
0xf4: {  	[sflag:s4] =	ssyncadd.s32 $0xFFFFC000  }
0xf5: {  	s4 =	sadd.s32 $0x14C0, s14;
	s14 =	smov.u32 s26;
	s26 =	simm.s32 $0x15FC0  }
0xf6: {  	[tilespmem:s26], [sflag:$0xA] =	stream.indirect.gather.add.f32 [hbm:s7], $0x80, s4, s5, $0xb8;
	[tilespmem:$0x19FC0] =	vst v63  }
0xf7: {  	s4 =	simm.s32 $0x6  }
0xf8: {  	_ =	swait.ge [sflag:s4], $0x4000  }
0xf9: {  	s23 =	simm.s32 $0x7;
	[sflag:s4] =	ssyncset.done $0x0  }
0xfa: {  	[sflag:s4] =	ssyncadd.s32 $0xFFFFC000;
	s4 =	sadd.s32 s0, s15;
	s15 =	smov.u32 s29  }
0xfb: {  	[hbm4b:s4+s19] =	stream.linear.scatter [tilespmem:s31], [sflag:$0xB], $0x4000, $0x38;
	[tilespmem:$0x19FC0] =	vst v63  }
0xfc: {  	_ =	swait.ge [sflag:s23], $0x4000  }
0xfd: {  	[sflag:s23] =	ssyncset.done $0x0  }
0xfe: {  	[sflag:s23] =	ssyncadd.s32 $0xFFFFC000;
	s23 =	sadd.s32 s0, s18;
	s18 =	smov.u32 s20  }
0xff: {  	[hbm4b:s23+s19] =	stream.linear.scatter [tilespmem:s28], [sflag:$0xC], $0x4000, $0x38;
	[tilespmem:$0x19FC0] =	vst v63  }
0x100: {  	_ =	swait.ge [sflag:s1], $0x4000  }
0x101: {  	[sflag:s1] =	ssyncset.done $0x0  }
0x102: {  	s20 =	sadd.s32 s0, s17;
	s17 =	smov.u32 s21;
	[sflag:s1] =	ssyncadd.s32 $0xFFFFC000  }
0x103: {  	[hbm4b:s20+s19] =	stream.linear.scatter [tilespmem:s30], [sflag:$0xD], $0x4000, $0x38;
	[tilespmem:$0x19FC0] =	vst v63  }
0x104: {  	s19 =	simm.s32 $0xA  }
0x105: {  	_ =	swait.ge [sflag:s2], $0x4000  }
0x106: {  	s20 =	sadd.s32 s0, s24;
	[sflag:s2] =	ssyncset.done $0x0  }
.Ltmp3:
0x107: {  	s24 =	simm.s32 $0x0;
	[sflag:s2] =	ssyncadd.s32 $0xFFFFC000;
	(pc) =	sbr.rel @p2 .LBB2_8-.Ltmp3, $4  }
0x108: {  	[hbm4b:s20+s24] =	stream.linear.scatter [tilespmem:s25], [sflag:$0xE], $0x4000, $0x38;
	[tilespmem:$0x19FC0] =	vst v63  }
0x109: {  	s22 =	sadd.s32 $0x280, s22;
	s21 =	simm.s32 @p1 $0xD;
	_ =	swait.ge [sflag:s19], $0x4000  }
0x10a: {  	s25 =	simm.s32 @p1 $0x80;
	s20 =	simm.s32 @p1 $0xC;
	[sflag:s19] =	ssyncset.done $0x0  }
0x10b: {  	s29 =	simm.s32 @p1 $0x5FC0;
	s23 =	sadd.s32 $0x2000, s4;
	[sflag:s19] =	ssyncadd.s32 $0xFFFFC000  }
0x10c: {  	[hbm4b:s23+s24] =	stream.linear.scatter [tilespmem:s26], [sflag:$0xF], $0x4000, $0x38;
	[tilespmem:$0x19FC0] =	vst v63  }
0x10d: {  	s4 =	simm.s32 @p1 $0xB  }
0x10e: {  	_ =	swait.ge @p1 [sflag:s4], $0x4000  }
0x10f: {  	[sflag:s4] =	ssyncset.done @p1 $0x0  }
0x110: {  	[sflag:s4] =	ssyncadd.s32 @p1 $0xFFFFC000;
	s4 =	sadd.s32 @p1 $0xFFFFFE80, s22  }
0x111: {  	[tilespmem:s29], [sflag:$0x1] =	stream.indirect.gather @p1 [spmem:s6], $0x80, s4, s25, $0xb8;
	[tilespmem:$0x19FC0] =	vst v63  }
0x112: {  	_ =	swait.ge @p1 [sflag:s20], $0x4000  }
0x113: {  	[sflag:s20] =	ssyncset.done @p1 $0x0  }
0x114: {  	s12 =	simm.s32 @p1 $0x9FC0;
	s4 =	sadd.s32 @p1 $0xFFFFFF00, s22;
	[sflag:s20] =	ssyncadd.s32 @p1 $0xFFFFC000  }
0x115: {  	[tilespmem:s12], [sflag:$0x2] =	stream.indirect.gather @p1 [spmem:s6], $0x80, s4, s25, $0xb8;
	[tilespmem:$0x19FC0] =	vst v63  }
0x116: {  	_ =	swait.ge @p1 [sflag:s21], $0x4000  }
0x117: {  	[sflag:s21] =	ssyncset.done @p1 $0x0  }
0x118: {  	s4 =	sadd.s32 @p1 $0xFFFFFF80, s22;
	s12 =	simm.s32 @p1 $0xDFC0;
	[sflag:s21] =	ssyncadd.s32 @p1 $0xFFFFC000  }
0x119: {  	[tilespmem:s12], [sflag:$0x3] =	stream.indirect.gather @p1 [spmem:s6], $0x80, s4, s25, $0xb8;
	[tilespmem:$0x19FC0] =	vst v63  }
0x11a: {  	s4 =	simm.s32 @p1 $0xE  }
0x11b: {  	_ =	swait.ge @p1 [sflag:s4], $0x4000  }
0x11c: {  	[sflag:s4] =	ssyncset.done @p1 $0x0  }
0x11d: {  	[sflag:s4] =	ssyncadd.s32 @p1 $0xFFFFC000;
	s4 =	simm.s32 @p1 $0x11FC0  }
0x11e: {  	[tilespmem:s4], [sflag:$0x4] =	stream.indirect.gather @p1 [spmem:s6], $0x80, s22, s25, $0xb8;
	[tilespmem:$0x19FC0] =	vst v63  }
0x11f: {  	s4 =	simm.s32 @p1 $0xF  }
0x120: {  	_ =	swait.ge @p1 [sflag:s4], $0x4000  }
0x121: {  	s20 =	simm.s32 @!p1 $0x2BC0;
	[sflag:s4] =	ssyncset.done @p1 $0x0  }
0x122: {  	s12 =	simm.s32 @!p1 $0x5FC0;
	[sflag:s4] =	ssyncadd.s32 @p1 $0xFFFFC000;
	s4 =	simm.s32 @!p1 $0x80  }
0x123: {  	[tilespmem:s12], [sflag:$0x1] =	stream.indirect.gather @!p1 [spmem:s6], $0x80, s20, s4, $0xb8;
	[tilespmem:$0x19FC0] =	vst v63  }
0x124: {  	s12 =	simm.s32 @!p1 $0x2C40;
	s20 =	simm.s32 @!p1 $0x9FC0  }
0x125: {  	[tilespmem:s20], [sflag:$0x2] =	stream.indirect.gather @!p1 [spmem:s6], $0x80, s12, s4, $0xb8;
	[tilespmem:$0x19FC0] =	vst v63  }
0x126: {  	s12 =	simm.s32 @!p1 $0x2CC0;
	s20 =	simm.s32 @!p1 $0xDFC0  }
0x127: {  	[tilespmem:s20], [sflag:$0x3] =	stream.indirect.gather @!p1 [spmem:s6], $0x80, s12, s4, $0xb8;
	[tilespmem:$0x19FC0] =	vst v63  }
0x128: {  	s12 =	simm.s32 @!p1 $0x2D40;
	s20 =	simm.s32 @!p1 $0x11FC0  }
0x129: {  	[tilespmem:s20], [sflag:$0x4] =	stream.indirect.gather @!p1 [spmem:s6], $0x80, s12, s4, $0xb8;
	[tilespmem:$0x19FC0] =	vst v63  }
0x12a: {  	s21 =	sadd.s32 $0x2DC0, s14  }
0x12b: {  	[tilespmem:s26], [sflag:$0x5] =	stream.indirect.gather [spmem:s6], $0x80, s21, s5, $0xb8;
	[tilespmem:$0x19FC0] =	vst v63  }
0x12c: {  	_ =	swait.ge [sflag:s3], $0x4000  }
0x12d: {  	[sflag:s3] =	ssyncset.done $0x0  }
0x12e: {  	s23 =	simm.s32 $0x2;
	s22 =	sadd.s32 $0x12C0, s14;
	[sflag:s3] =	ssyncadd.s32 $0xFFFFC000  }
0x12f: {  	[tilespmem:s31], [sflag:$0x6] =	stream.indirect.gather.add.f32 [hbm:s7], $0x80, s22, s5, $0xb8;
	[tilespmem:$0x19FC0] =	vst v63  }
0x130: {  	_ =	swait.ge [sflag:s23], $0x4000  }
0x131: {  	[sflag:s23] =	ssyncset.done $0x0  }
0x132: {  	s25 =	sadd.s32 $0x12C0, s9;
	s9 =	simm.s32 $0x3;
	[sflag:s23] =	ssyncadd.s32 $0xFFFFC000  }
0x133: {  	[tilespmem:s28], [sflag:$0x7] =	stream.indirect.gather.add.f32 [hbm:s7], $0x80, s25, s5, $0xb8;
	[tilespmem:$0x19FC0] =	vst v63  }
0x134: {  	_ =	swait.ge [sflag:s9], $0x4000  }
0x135: {  	[sflag:s9] =	ssyncset.done $0x0  }
0x136: {  	s12 =	sadd.s32 $0x12C0, s11;
	s20 =	simm.s32 $0x4;
	[sflag:s9] =	ssyncadd.s32 $0xFFFFC000  }
0x137: {  	[tilespmem:s30], [sflag:$0x8] =	stream.indirect.gather.add.f32 [hbm:s7], $0x80, s12, s5, $0xb8;
	[tilespmem:$0x19FC0] =	vst v63  }
0x138: {  	_ =	swait.ge [sflag:s20], $0x4000  }
0x139: {  	s21 =	sadd.s32 $0x12C0, s13;
	[sflag:s20] =	ssyncset.done $0x0  }
0x13a: {  	s22 =	simm.s32 $0x11FC0;
	s23 =	simm.s32 $0x5;
	[sflag:s20] =	ssyncadd.s32 $0xFFFFC000  }
0x13b: {  	[tilespmem:s22], [sflag:$0x9] =	stream.indirect.gather.add.f32 [hbm:s7], $0x80, s21, s5, $0xb8;
	[tilespmem:$0x19FC0] =	vst v63  }
0x13c: {  	_ =	swait.ge [sflag:s23], $0x4000  }
0x13d: {  	[sflag:s23] =	ssyncset.done $0x0  }
0x13e: {  	s25 =	sadd.s32 $0x14C0, s14;
	s9 =	simm.s32 $0x6;
	[sflag:s23] =	ssyncadd.s32 $0xFFFFC000  }
0x13f: {  	[tilespmem:s26], [sflag:$0xA] =	stream.indirect.gather.add.f32 [hbm:s7], $0x80, s25, s5, $0xb8;
	[tilespmem:$0x19FC0] =	vst v63  }
0x140: {  	_ =	swait.ge [sflag:s9], $0x4000  }
0x141: {  	[sflag:s9] =	ssyncset.done $0x0  }
0x142: {  	s13 =	simm.s32 $0x7;
	s12 =	sadd.s32 s0, s15;
	[sflag:s9] =	ssyncadd.s32 $0xFFFFC000  }
0x143: {  	[hbm4b:s12+s24] =	stream.linear.scatter [tilespmem:s31], [sflag:$0xB], $0x4000, $0x38;
	[tilespmem:$0x19FC0] =	vst v63  }
0x144: {  	_ =	swait.ge [sflag:s13], $0x4000  }
0x145: {  	[sflag:s13] =	ssyncset.done $0x0  }
0x146: {  	s14 =	sadd.s32 s0, s18;
	[sflag:s13] =	ssyncadd.s32 $0xFFFFC000  }
0x147: {  	[hbm4b:s14+s24] =	stream.linear.scatter [tilespmem:s28], [sflag:$0xC], $0x4000, $0x38;
	[tilespmem:$0x19FC0] =	vst v63  }
0x148: {  	_ =	swait.ge [sflag:s1], $0x4000  }
0x149: {  	[sflag:s1] =	ssyncset.done $0x0  }
0x14a: {  	s15 =	sadd.s32 s0, s17;
	[sflag:s1] =	ssyncadd.s32 $0xFFFFC000  }
0x14b: {  	[hbm4b:s15+s24] =	stream.linear.scatter [tilespmem:s30], [sflag:$0xD], $0x4000, $0x38;
	[tilespmem:$0x19FC0] =	vst v63  }
0x14c: {  	_ =	swait.ge [sflag:s2], $0x4000  }
0x14d: {  	[sflag:s2] =	ssyncset.done $0x0  }
0x14e: {  	s17 =	sadd.s32 s0, s16;
	[sflag:s2] =	ssyncadd.s32 $0xFFFFC000  }
0x14f: {  	[hbm4b:s17+s24] =	stream.linear.scatter [tilespmem:s22], [sflag:$0xE], $0x4000, $0x38;
	[tilespmem:$0x19FC0] =	vst v63  }
0x150: {  	_ =	swait.ge [sflag:s19], $0x4000  }
0x151: {  	[sflag:s19] =	ssyncset.done $0x0  }
0x152: {  	s18 =	simm.s32 $0xB;
	s4 =	sadd.s32 $0x2000, s12;
	[sflag:s19] =	ssyncadd.s32 $0xFFFFC000  }
0x153: {  	[hbm4b:s4+s24] =	stream.linear.scatter [tilespmem:s26], [sflag:$0xF], $0x4000, $0x38;
	[tilespmem:$0x19FC0] =	vst v63  }
0x154: {  	_ =	swait.ge [sflag:s18], $0x4000  }
0x155: {  	[sflag:s18] =	ssyncset.done $0x0  }
0x156: {  	s19 =	simm.s32 $0xC;
	[sflag:s18] =	ssyncadd.s32 $0xFFFFC000  }
0x157: {  	_ =	swait.ge [sflag:s19], $0x4000  }
0x158: {  	[sflag:s19] =	ssyncset.done $0x0  }
0x159: {  	s20 =	simm.s32 $0xD;
	[sflag:s19] =	ssyncadd.s32 $0xFFFFC000  }
0x15a: {  	_ =	swait.ge [sflag:s20], $0x4000  }
0x15b: {  	[sflag:s20] =	ssyncset.done $0x0  }
0x15c: {  	s21 =	simm.s32 $0xE;
	[sflag:s20] =	ssyncadd.s32 $0xFFFFC000  }
0x15d: {  	_ =	swait.ge [sflag:s21], $0x4000  }
0x15e: {  	[sflag:s21] =	ssyncset.done $0x0  }
0x15f: {  	s22 =	simm.s32 $0xF;
	[sflag:s21] =	ssyncadd.s32 $0xFFFFC000  }
0x160: {  	_ =	swait.ge [sflag:s22], $0x4000  }
0x161: {  	s23 =	rddreg [dreg:$0xe]  }
0x162: {  	s25 =	rddreg [dreg:$0xd];
	s9 =	sadd.s32 $0x1, s23  }
0x163: {  	s29 =	simm.s32 $0x9;
	p1 =	sne.s32 s9, s25  }
.Ltmp4:
0x164: {  	s5 =	simm.s32 $0x4;
	s13 =	simm.s32 $0x10;
	(pc) =	sbr.rel @p1 .LBB2_1-.Ltmp4, $4  }
0x165: {  	s1 =	simm.s32 $0x2;
	s2 =	simm.s32 $0x3;
	s17 =	simm.s32 $0x5  }
0x166: {  	s18 =	simm.s32 $0x6;
	s19 =	simm.s32 $0x11FC0;
	[sflag:s22] =	ssyncset.done $0x0  }
0x167: {  	s21 =	simm.s32 $0x7;
	[sflag:s22] =	ssyncadd.s32 $0xFFFFC000;
	s22 =	smov.u32 s0  }
0x168: {  	s0 =	smov.u32 s7;
	s7 =	simm.s32 $0x80;
	s25 =	simm.s32 $0x8  }
0x169: {  	_ =	sfence.sel $0x180000  }
0x16a: {  	[bflag:$0x0] =	sbarrier.arrive $0xFFFF  }
0x16b: {  	_ =	strace $0x90000047  }
0x16c: {  	s0 =	stileid.u32;
	[bflag:$0x2] =	sbarrier.arrive $0xFFFF  }
0x16d: {  	p0 =	sne.s32 s0, $0x0;
	s0 =	rddreg [dreg:$0x8]  }
0x16e: {  	s0 =	sadd.s32 @!p0 $0x100000, s0  }
0x16f: {  	[sflag:s0] =	ssyncadd.tile.s32 @!p0 $0x1;
	_ =	shalt  }
.Lfunc_end2:
_tile_overlayer_lowered:
.L_overlay_start_2:
0x170: {  	(tag) =	ssettag $0x2  }
0x171: {  	s0 =	rddreg [dreg:$0x0];
	s2 =	stileid.u32  }
0x172: {  	s1 =	rddreg [dreg:$0x1];
	p0 =	sne.s32 s2, $0x0  }
0x173: {  	s3 =	rddreg [dreg:$0x2];
	[bflag:$0x3] =	sbarrier.arrive $0xFFFF;
	s2 =	simm.s32 @!p0 $0x1C10  }
0x174: {  	[timem:s3], [sflag:s2] =	dma.local @!p0 [hbm:s0], s1  }
0x175: {  	s0 =	simm.s32 @!p0 $0x10  }
0x176: {  	_ =	swait.ge @!p0 [sflag:s0], s1  }
0x177: {  	s1 =	ssub.s32 @!p0 $0x0, s1;
	[sflag:s0] =	ssyncset.done @!p0 $0x0  }
0x178: {  	[sflag:s0] =	ssyncadd.s32 @!p0 s1  }
0x179: {  	[bflag:$0x3] =	sbarrier.arrive $0xFFFF  }
0x17a: {  	_ =	shalt  }

</sc_bundles>
